<compile_context>
chip_gen: v7x
topology: tpu7x:2x2x1
jax: 0.10.2.dev20260603
libtpu: 0.0.44.dev20260713+nightly
codegen_flags: <defaults>
</compile_context>

<pallas_src>
import functools

import jax
import jax.numpy as jnp
from jax import lax
from jax.experimental import pallas as pl
from jax.experimental.pallas import tpu as pltpu
from jax.experimental.pallas import tpu_sc as plsc

B = 4096
U = 256
F = 1000
D = 2 * U
NC, NS = 2, 16
NW = NC * NS
BPW = B // NW
CH = 16
NCH = BPW // CH
VL = 16

_sc_mesh = plsc.VectorSubcoreMesh(core_axis_name="c", subcore_axis_name="s")


@functools.partial(
    pl.kernel,
    out_type=(
        jax.ShapeDtypeStruct((B * 4, 128), jnp.float32),
        jax.ShapeDtypeStruct((B,), jnp.float32),
        jax.ShapeDtypeStruct((B,), jnp.int32),
    ),
    mesh=_sc_mesh,
    compiler_params=pltpu.CompilerParams(needs_layout_passes=False),
    scratch_types=[
        pltpu.VMEM((BPW,), jnp.int32),
        pltpu.VMEM((CH, 4, 128), jnp.float32),
        pltpu.VMEM((CH, 4, 128), jnp.float32),
        pltpu.VMEM((CH, 4, 128), jnp.float32),
        pltpu.VMEM((CH, 4, 128), jnp.float32),
        pltpu.VMEM((CH, 4, 128), jnp.float32),
        pltpu.VMEM((CH, 4, 128), jnp.float32),
        pltpu.VMEM((CH, 4, 128), jnp.float32),
        pltpu.VMEM((CH, 4, 128), jnp.float32),
        pltpu.VMEM((CH * 4, 128), jnp.float32),
        pltpu.VMEM((CH * 4, 128), jnp.float32),
        pltpu.VMEM((CH * 4, 128), jnp.float32),
        pltpu.VMEM((CH * 4, 128), jnp.float32),
        pltpu.VMEM((CH * 4, 128), jnp.float32),
        pltpu.VMEM((CH * 4, 128), jnp.float32),
        pltpu.VMEM((F,), jnp.float32),
        pltpu.VMEM((F,), jnp.float32),
        pltpu.VMEM((BPW,), jnp.float32),
        pltpu.VMEM((BPW,), jnp.float32),
        pltpu.SemaphoreType.DMA,
        pltpu.SemaphoreType.DMA,
        pltpu.SemaphoreType.DMA,
        pltpu.SemaphoreType.DMA,
        pltpu.SemaphoreType.DMA,
        pltpu.SemaphoreType.DMA,
    ],
)
def _sc_sample(mu_hbm, ls_hbm, eps_hbm, ids_hbm, cmu_hbm, cls_hbm, epsc_hbm,
               energies_hbm, conc_hbm, ids_out_hbm,
               ids_v, mu_v0, mu_v1, mu_v2, mu_v3, ls_v0, ls_v1, ls_v2, ls_v3,
               eps_v0, eps_v1, eps_v2, eps_v3,
               out_v0, out_v1, cmu_v, cls_v, epsc_v, conc_v,
               sem_g0, sem_g1, sem_g2, sem_g3, sem_o0, sem_o1):
    wid = lax.axis_index("s") * NC + lax.axis_index("c")
    base = wid * BPW
    mu_b, ls_b = (mu_v0, mu_v1, mu_v2, mu_v3), (ls_v0, ls_v1, ls_v2, ls_v3)
    eps_b, out_b = (eps_v0, eps_v1, eps_v2, eps_v3), (out_v0, out_v1)
    sem_g, sem_o = (sem_g0, sem_g1, sem_g2, sem_g3), (sem_o0, sem_o1)

    pltpu.sync_copy(ids_hbm.at[pl.ds(base, BPW)], ids_v)
    pltpu.sync_copy(ids_v, ids_out_hbm.at[pl.ds(base, BPW)])

    def in_copies(c, b):
        idx = ids_v.at[pl.ds(c * CH, CH)]
        o = (base + c * CH) * 4
        return (
            pltpu.make_async_copy(mu_hbm.at[idx], mu_b[b], sem_g[b]),
            pltpu.make_async_copy(ls_hbm.at[idx], ls_b[b], sem_g[b]),
            pltpu.make_async_copy(eps_hbm.at[pl.ds(o, CH * 4)], eps_b[b],
                                  sem_g[b]),
        )

    def out_copy(c, b):
        return pltpu.make_async_copy(
            out_b[b], energies_hbm.at[pl.ds((base + c * CH) * 4, CH * 4)],
            sem_o[b])

    for dsc in (in_copies(0, 0) + in_copies(1, 1)
                + in_copies(2, 2) + in_copies(3, 3)):
        dsc.start()

    pltpu.sync_copy(cmu_hbm, cmu_v)
    pltpu.sync_copy(cls_hbm, cls_v)
    pltpu.sync_copy(epsc_hbm.at[pl.ds(base, BPW)], epsc_v)

    def conc_body(t, _):
        ids16 = ids_v[pl.ds(t * VL, VL)]
        cm = plsc.load_gather(cmu_v, [ids16])
        cs = jnp.exp(plsc.load_gather(cls_v, [ids16]))
        ec = epsc_v[pl.ds(t * VL, VL)]
        conc_v[pl.ds(t * VL, VL)] = jnp.exp(cm + cs * ec)
        return 0

    lax.fori_loop(0, BPW // VL, conc_body, 0)
    pltpu.sync_copy(conc_v, conc_hbm.at[pl.ds(base, BPW)])

    def outer(io, _):
        for b in (0, 1, 2, 3):
            c = io * 4 + b
            for dsc in in_copies(c, b):
                dsc.wait()

            @pl.when(c >= 2)
            def _():
                out_copy(c - 2, b & 1).wait()

            mu_v, ls_v, eps_v = mu_b[b], ls_b[b], eps_b[b]
            out_v = out_b[b & 1]

            def fma_body(k, _):
                i = k // 4
                r = k % 4
                for g in range(8):
                    col = g * VL
                    mu = mu_v[i, r, pl.ds(col, VL)]
                    sg = jnp.exp(ls_v[i, r, pl.ds(col, VL)])
                    ep = eps_v[k, pl.ds(col, VL)]
                    out_v[k, pl.ds(col, VL)] = mu + sg * ep
                return 0

            lax.fori_loop(0, CH * 4, fma_body, 0)

            @pl.when(c + 4 < NCH)
            def _():
                for dsc in in_copies(c + 4, b):
                    dsc.start()

            out_copy(c, b & 1).start()
        return 0

    lax.fori_loop(0, NCH // 4, outer, 0)
    out_copy(NCH - 2, 0).wait()
    out_copy(NCH - 1, 1).wait()


def kernel(interaction_mu, interaction_log_sigma, conc_mu, conc_log_sigma,
           eps_energy, eps_conc, family_ids):
    mu_rec = (interaction_mu.reshape(2, 128, F, 2)
              .transpose(2, 0, 3, 1).reshape(F, 4, 128))
    ls_rec = (interaction_log_sigma.reshape(2, 128, F, 2)
              .transpose(2, 0, 3, 1).reshape(F, 4, 128))
    eps_rec = (eps_energy.reshape(B, 2, 128, 2)
               .transpose(0, 1, 3, 2).reshape(B * 4, 128))

    out_rec, conc, ids_out = _sc_sample(mu_rec, ls_rec, eps_rec, family_ids,
                                        conc_mu, conc_log_sigma, eps_conc)

    energies = (out_rec.reshape(B, 2, 2, 128)
                .transpose(0, 1, 3, 2).reshape(B, U, 2))
    return energies, conc, ids_out

# --- scband reference (transcript-rebuilt; emitter-appended) ---
"""Pipeline reference for scband-ligand-environment-34875134443625 (READ-ONLY COPY).

The authoritative reference and input builder live on the scoring server;
editing this copy changes nothing except your own understanding.
"""

import jax, jax.numpy as jnp
import numpy as np

B = 4096
N_UNITS = 256
N_FAMILIES = 1000

def setup_inputs(seed: int = 0) -> dict:
    key = jax.random.key(seed)
    k1, k2, k3, k4, k5, k6, k7 = jax.random.split(key, 7)
    # Learned parameters (per LigandEnvironment.__init__)
    interaction_mu = jax.random.normal(k1, (N_UNITS, N_FAMILIES, 2), dtype=jnp.float32) * 2.0
    interaction_log_sigma = jax.random.normal(k2, (N_UNITS, N_FAMILIES, 2), dtype=jnp.float32) - 1.0
    # Concrete ConcentrationModel: per-family log-normal concentration parameters
    conc_mu = jax.random.normal(k3, (N_FAMILIES,), dtype=jnp.float32)
    conc_log_sigma = jax.random.normal(k4, (N_FAMILIES,), dtype=jnp.float32) - 1.0
    # Randomness made explicit (reparameterization noise + sampled family ids)
    family_ids = jax.random.randint(k5, (B,), 0, N_FAMILIES, dtype=jnp.int32)
    eps_energy = jax.random.normal(k6, (B, N_UNITS, 2), dtype=jnp.float32)
    eps_conc = jax.random.normal(k7, (B,), dtype=jnp.float32)
    return {
        "interaction_mu": interaction_mu,
        "interaction_log_sigma": interaction_log_sigma,
        "conc_mu": conc_mu,
        "conc_log_sigma": conc_log_sigma,
        "eps_energy": eps_energy,
        "eps_conc": eps_conc,
        "family_ids": family_ids,
    }

def reference(interaction_mu, interaction_log_sigma, conc_mu, conc_log_sigma, eps_energy, eps_conc, family_ids):
    # concentration model: log-normal sample via reparameterization, gathered per family
    c_mu = jnp.take(conc_mu, family_ids, axis=0)
    c_sigma = jnp.exp(jnp.take(conc_log_sigma, family_ids, axis=0))
    concentrations = jnp.exp(c_mu + c_sigma * eps_conc)
    # LigandEnvironment.sample_batch
    mu_T = jnp.transpose(interaction_mu, (1, 0, 2))            # (F, U, 2)
    sigma_T = jnp.exp(jnp.transpose(interaction_log_sigma, (1, 0, 2)))
    batch_mus = jnp.take(mu_T, family_ids, axis=0)             # (B, U, 2)
    batch_sigmas = jnp.take(sigma_T, family_ids, axis=0)       # (B, U, 2)
    energies = batch_mus + batch_sigmas * eps_energy           # Normal(...).rsample()
    return energies, concentrations, family_ids

if __name__ == "__main__":
    import jax
    _d = setup_inputs()
    print(jax.jit(kernel)(*tuple(_d.values())))

</pallas_src>

<mosaic_0001>
#map = affine_map<(d0, d1) -> (0, 0, 0)>
#map1 = affine_map<(d0, d1) -> (0, 0)>
#map2 = affine_map<(d0, d1) -> (0)>
module attributes {stable_mosaic.version = 14 : i64} {
  func.func @_sc_sample(%arg0: i32, %arg1: i32, %arg2: memref<1000x4x128xf32, #tpu.memory_space<hbm>>, %arg3: memref<1000x4x128xf32, #tpu.memory_space<hbm>>, %arg4: memref<16384x128xf32, #tpu.memory_space<hbm>>, %arg5: memref<4096xi32, #tpu.memory_space<hbm>>, %arg6: memref<1000xf32, #tpu.memory_space<hbm>>, %arg7: memref<1000xf32, #tpu.memory_space<hbm>>, %arg8: memref<4096xf32, #tpu.memory_space<hbm>>, %arg9: memref<16384x128xf32, #tpu.memory_space<hbm>>, %arg10: memref<4096xf32, #tpu.memory_space<hbm>>, %arg11: memref<4096xi32, #tpu.memory_space<hbm>>, %arg12: memref<128xi32, #tpu.memory_space<vmem>>, %arg13: memref<16x4x128xf32, #tpu.memory_space<vmem>>, %arg14: memref<16x4x128xf32, #tpu.memory_space<vmem>>, %arg15: memref<16x4x128xf32, #tpu.memory_space<vmem>>, %arg16: memref<16x4x128xf32, #tpu.memory_space<vmem>>, %arg17: memref<16x4x128xf32, #tpu.memory_space<vmem>>, %arg18: memref<16x4x128xf32, #tpu.memory_space<vmem>>, %arg19: memref<16x4x128xf32, #tpu.memory_space<vmem>>, %arg20: memref<16x4x128xf32, #tpu.memory_space<vmem>>, %arg21: memref<64x128xf32, #tpu.memory_space<vmem>>, %arg22: memref<64x128xf32, #tpu.memory_space<vmem>>, %arg23: memref<64x128xf32, #tpu.memory_space<vmem>>, %arg24: memref<64x128xf32, #tpu.memory_space<vmem>>, %arg25: memref<64x128xf32, #tpu.memory_space<vmem>>, %arg26: memref<64x128xf32, #tpu.memory_space<vmem>>, %arg27: memref<1000xf32, #tpu.memory_space<vmem>>, %arg28: memref<1000xf32, #tpu.memory_space<vmem>>, %arg29: memref<128xf32, #tpu.memory_space<vmem>>, %arg30: memref<128xf32, #tpu.memory_space<vmem>>, %arg31: memref<!tpu.dma_semaphore, #tpu.memory_space<semaphore_mem>>, %arg32: memref<!tpu.dma_semaphore, #tpu.memory_space<semaphore_mem>>, %arg33: memref<!tpu.dma_semaphore, #tpu.memory_space<semaphore_mem>>, %arg34: memref<!tpu.dma_semaphore, #tpu.memory_space<semaphore_mem>>, %arg35: memref<!tpu.dma_semaphore, #tpu.memory_space<semaphore_mem>>, %arg36: memref<!tpu.dma_semaphore, #tpu.memory_space<semaphore_mem>>) attributes {dimension_semantics = [#tpu.dimension_semantics<core_parallel>, #tpu.dimension_semantics<subcore_parallel>], iteration_bounds = array<i64: 2, 16>, scalar_prefetch = 0 : i64, scratch_operands = 25 : i64, tpu.core_type = #tpu.core_type<sc_vector_subcore>, window_params = [{transform_indices = #map}, {transform_indices = #map}, {transform_indices = #map1}, {transform_indices = #map2}, {transform_indices = #map2}, {transform_indices = #map2}, {transform_indices = #map2}, {transform_indices = #map1}, {transform_indices = #map2}, {transform_indices = #map2}]} {
    %mul3A = arith.constant 2 : i32
    %mul3A_0 = arith.muli %arg1, %mul3A : i32
    %add3A = arith.addi %mul3A_0, %arg0 : i32
    %mul3A_1 = arith.constant 128 : i32
    %mul3A_2 = arith.muli %add3A, %mul3A_1 : i32
    "tpu.region"() ({
      %run_scoped3A = tpu.sem_alloc : memref<!tpu.dma_semaphore, #tpu.memory_space<semaphore_mem>>
      %dma_start3A_110 = tpu.memref_slice %arg5[%mul3A_2] : memref<4096xi32, #tpu.memory_space<hbm>> -> memref<128xi32, #tpu.memory_space<hbm>>
      %dma_start3A_111 = tpu.memref_slice %arg5[%mul3A_2] : memref<4096xi32, #tpu.memory_space<hbm>> -> memref<128xi32, #tpu.memory_space<hbm>>
      tpu.enqueue_dma source(%dma_start3A_111 : memref<128xi32, #tpu.memory_space<hbm>>) target(%arg12 : memref<128xi32, #tpu.memory_space<vmem>>) target_semaphore(%run_scoped3A : memref<!tpu.dma_semaphore, #tpu.memory_space<semaphore_mem>>)
      %dma_wait3A_112 = tpu.memref_slice %arg5[%mul3A_2] : memref<4096xi32, #tpu.memory_space<hbm>> -> memref<128xi32, #tpu.memory_space<hbm>>
      %dma_wait3A_113 = tpu.memref_slice %arg5[%mul3A_2] : memref<4096xi32, #tpu.memory_space<hbm>> -> memref<128xi32, #tpu.memory_space<hbm>>
      tpu.wait_dma2 semaphore(%run_scoped3A : memref<!tpu.dma_semaphore, #tpu.memory_space<semaphore_mem>>) src(%dma_wait3A_113 : memref<128xi32, #tpu.memory_space<hbm>>) dst(%arg12 : memref<128xi32, #tpu.memory_space<vmem>>)
      tpu.yield
    }) : () -> ()
    "tpu.region"() ({
      %run_scoped3A = tpu.sem_alloc : memref<!tpu.dma_semaphore, #tpu.memory_space<semaphore_mem>>
      %dma_start3A_110 = tpu.memref_slice %arg11[%mul3A_2] : memref<4096xi32, #tpu.memory_space<hbm>> -> memref<128xi32, #tpu.memory_space<hbm>>
      %dma_start3A_111 = tpu.memref_slice %arg11[%mul3A_2] : memref<4096xi32, #tpu.memory_space<hbm>> -> memref<128xi32, #tpu.memory_space<hbm>>
      tpu.enqueue_dma source(%arg12 : memref<128xi32, #tpu.memory_space<vmem>>) target(%dma_start3A_111 : memref<128xi32, #tpu.memory_space<hbm>>) target_semaphore(%run_scoped3A : memref<!tpu.dma_semaphore, #tpu.memory_space<semaphore_mem>>)
      %dma_wait3A_112 = tpu.memref_slice %arg11[%mul3A_2] : memref<4096xi32, #tpu.memory_space<hbm>> -> memref<128xi32, #tpu.memory_space<hbm>>
      %dma_wait3A_113 = tpu.memref_slice %arg11[%mul3A_2] : memref<4096xi32, #tpu.memory_space<hbm>> -> memref<128xi32, #tpu.memory_space<hbm>>
      tpu.wait_dma2 semaphore(%run_scoped3A : memref<!tpu.dma_semaphore, #tpu.memory_space<semaphore_mem>>) src(%arg12 : memref<128xi32, #tpu.memory_space<vmem>>) dst(%dma_wait3A_113 : memref<128xi32, #tpu.memory_space<hbm>>)
      tpu.yield
    }) : () -> ()
    %add3A_3 = arith.constant 0 : i32
    %add3A_4 = arith.addi %mul3A_2, %add3A_3 : i32
    %mul3A_5 = arith.constant 4 : i32
    %mul3A_6 = arith.muli %add3A_4, %mul3A_5 : i32
    %add3A_7 = arith.constant 16 : i32
    %add3A_8 = arith.addi %mul3A_2, %add3A_7 : i32
    %mul3A_9 = arith.constant 4 : i32
    %mul3A_10 = arith.muli %add3A_8, %mul3A_9 : i32
    %add3A_11 = arith.constant 32 : i32
    %add3A_12 = arith.addi %mul3A_2, %add3A_11 : i32
    %mul3A_13 = arith.constant 4 : i32
    %mul3A_14 = arith.muli %add3A_12, %mul3A_13 : i32
    %add3A_15 = arith.constant 48 : i32
    %add3A_16 = arith.addi %mul3A_2, %add3A_15 : i32
    %mul3A_17 = arith.constant 4 : i32
    %mul3A_18 = arith.muli %add3A_16, %mul3A_17 : i32
    %dma_start3A = arith.constant 0 : i32
    %dma_start3A_19 = tpu.memref_slice %arg12[%dma_start3A] : memref<128xi32, #tpu.memory_space<vmem>> -> memref<16xi32, #tpu.memory_space<vmem>>
    %dma_start3A_20 = arith.constant 0 : i32
    %dma_start3A_21 = arith.constant 0 : i32
    %dma_start3A_22 = arith.constant 0 : i32
    %dma_start3A_23 = tpu.memref_slice %arg2[%dma_start3A_20, %dma_start3A_21, %dma_start3A_22] : memref<1000x4x128xf32, #tpu.memory_space<hbm>> -> memref<1000x4x128xf32, #tpu.memory_space<hbm>>
    tpu.enqueue_indirect_dma source(%dma_start3A_23 : memref<1000x4x128xf32, #tpu.memory_space<hbm>>) target(%arg13 : memref<16x4x128xf32, #tpu.memory_space<vmem>>) offsets(%dma_start3A_19 : memref<16xi32, #tpu.memory_space<vmem>>) semaphore(%arg31 : memref<!tpu.dma_semaphore, #tpu.memory_space<semaphore_mem>>)
    %dma_start3A_24 = arith.constant 0 : i32
    %dma_start3A_25 = tpu.memref_slice %arg12[%dma_start3A_24] : memref<128xi32, #tpu.memory_space<vmem>> -> memref<16xi32, #tpu.memory_space<vmem>>
    %dma_start3A_26 = arith.constant 0 : i32
    %dma_start3A_27 = arith.constant 0 : i32
    %dma_start3A_28 = arith.constant 0 : i32
    %dma_start3A_29 = tpu.memref_slice %arg3[%dma_start3A_26, %dma_start3A_27, %dma_start3A_28] : memref<1000x4x128xf32, #tpu.memory_space<hbm>> -> memref<1000x4x128xf32, #tpu.memory_space<hbm>>
    tpu.enqueue_indirect_dma source(%dma_start3A_29 : memref<1000x4x128xf32, #tpu.memory_space<hbm>>) target(%arg17 : memref<16x4x128xf32, #tpu.memory_space<vmem>>) offsets(%dma_start3A_25 : memref<16xi32, #tpu.memory_space<vmem>>) semaphore(%arg31 : memref<!tpu.dma_semaphore, #tpu.memory_space<semaphore_mem>>)
    %dma_start3A_30 = arith.constant 0 : i32
    %dma_start3A_31 = tpu.memref_slice %arg4[%mul3A_6, %dma_start3A_30] : memref<16384x128xf32, #tpu.memory_space<hbm>> -> memref<64x128xf32, #tpu.memory_space<hbm>>
    %dma_start3A_32 = arith.constant 0 : i32
    %dma_start3A_33 = tpu.memref_slice %arg4[%mul3A_6, %dma_start3A_32] : memref<16384x128xf32, #tpu.memory_space<hbm>> -> memref<64x128xf32, #tpu.memory_space<hbm>>
    tpu.enqueue_dma source(%dma_start3A_33 : memref<64x128xf32, #tpu.memory_space<hbm>>) target(%arg21 : memref<64x128xf32, #tpu.memory_space<vmem>>) target_semaphore(%arg31 : memref<!tpu.dma_semaphore, #tpu.memory_space<semaphore_mem>>)
    %dma_start3A_34 = arith.constant 16 : i32
    %dma_start3A_35 = tpu.memref_slice %arg12[%dma_start3A_34] : memref<128xi32, #tpu.memory_space<vmem>> -> memref<16xi32, #tpu.memory_space<vmem>>
    %dma_start3A_36 = arith.constant 0 : i32
    %dma_start3A_37 = arith.constant 0 : i32
    %dma_start3A_38 = arith.constant 0 : i32
    %dma_start3A_39 = tpu.memref_slice %arg2[%dma_start3A_36, %dma_start3A_37, %dma_start3A_38] : memref<1000x4x128xf32, #tpu.memory_space<hbm>> -> memref<1000x4x128xf32, #tpu.memory_space<hbm>>
    tpu.enqueue_indirect_dma source(%dma_start3A_39 : memref<1000x4x128xf32, #tpu.memory_space<hbm>>) target(%arg14 : memref<16x4x128xf32, #tpu.memory_space<vmem>>) offsets(%dma_start3A_35 : memref<16xi32, #tpu.memory_space<vmem>>) semaphore(%arg32 : memref<!tpu.dma_semaphore, #tpu.memory_space<semaphore_mem>>)
    %dma_start3A_40 = arith.constant 16 : i32
    %dma_start3A_41 = tpu.memref_slice %arg12[%dma_start3A_40] : memref<128xi32, #tpu.memory_space<vmem>> -> memref<16xi32, #tpu.memory_space<vmem>>
    %dma_start3A_42 = arith.constant 0 : i32
    %dma_start3A_43 = arith.constant 0 : i32
    %dma_start3A_44 = arith.constant 0 : i32
    %dma_start3A_45 = tpu.memref_slice %arg3[%dma_start3A_42, %dma_start3A_43, %dma_start3A_44] : memref<1000x4x128xf32, #tpu.memory_space<hbm>> -> memref<1000x4x128xf32, #tpu.memory_space<hbm>>
    tpu.enqueue_indirect_dma source(%dma_start3A_45 : memref<1000x4x128xf32, #tpu.memory_space<hbm>>) target(%arg18 : memref<16x4x128xf32, #tpu.memory_space<vmem>>) offsets(%dma_start3A_41 : memref<16xi32, #tpu.memory_space<vmem>>) semaphore(%arg32 : memref<!tpu.dma_semaphore, #tpu.memory_space<semaphore_mem>>)
    %dma_start3A_46 = arith.constant 0 : i32
    %dma_start3A_47 = tpu.memref_slice %arg4[%mul3A_10, %dma_start3A_46] : memref<16384x128xf32, #tpu.memory_space<hbm>> -> memref<64x128xf32, #tpu.memory_space<hbm>>
    %dma_start3A_48 = arith.constant 0 : i32
    %dma_start3A_49 = tpu.memref_slice %arg4[%mul3A_10, %dma_start3A_48] : memref<16384x128xf32, #tpu.memory_space<hbm>> -> memref<64x128xf32, #tpu.memory_space<hbm>>
    tpu.enqueue_dma source(%dma_start3A_49 : memref<64x128xf32, #tpu.memory_space<hbm>>) target(%arg22 : memref<64x128xf32, #tpu.memory_space<vmem>>) target_semaphore(%arg32 : memref<!tpu.dma_semaphore, #tpu.memory_space<semaphore_mem>>)
    %dma_start3A_50 = arith.constant 32 : i32
    %dma_start3A_51 = tpu.memref_slice %arg12[%dma_start3A_50] : memref<128xi32, #tpu.memory_space<vmem>> -> memref<16xi32, #tpu.memory_space<vmem>>
    %dma_start3A_52 = arith.constant 0 : i32
    %dma_start3A_53 = arith.constant 0 : i32
    %dma_start3A_54 = arith.constant 0 : i32
    %dma_start3A_55 = tpu.memref_slice %arg2[%dma_start3A_52, %dma_start3A_53, %dma_start3A_54] : memref<1000x4x128xf32, #tpu.memory_space<hbm>> -> memref<1000x4x128xf32, #tpu.memory_space<hbm>>
    tpu.enqueue_indirect_dma source(%dma_start3A_55 : memref<1000x4x128xf32, #tpu.memory_space<hbm>>) target(%arg15 : memref<16x4x128xf32, #tpu.memory_space<vmem>>) offsets(%dma_start3A_51 : memref<16xi32, #tpu.memory_space<vmem>>) semaphore(%arg33 : memref<!tpu.dma_semaphore, #tpu.memory_space<semaphore_mem>>)
    %dma_start3A_56 = arith.constant 32 : i32
    %dma_start3A_57 = tpu.memref_slice %arg12[%dma_start3A_56] : memref<128xi32, #tpu.memory_space<vmem>> -> memref<16xi32, #tpu.memory_space<vmem>>
    %dma_start3A_58 = arith.constant 0 : i32
    %dma_start3A_59 = arith.constant 0 : i32
    %dma_start3A_60 = arith.constant 0 : i32
    %dma_start3A_61 = tpu.memref_slice %arg3[%dma_start3A_58, %dma_start3A_59, %dma_start3A_60] : memref<1000x4x128xf32, #tpu.memory_space<hbm>> -> memref<1000x4x128xf32, #tpu.memory_space<hbm>>
    tpu.enqueue_indirect_dma source(%dma_start3A_61 : memref<1000x4x128xf32, #tpu.memory_space<hbm>>) target(%arg19 : memref<16x4x128xf32, #tpu.memory_space<vmem>>) offsets(%dma_start3A_57 : memref<16xi32, #tpu.memory_space<vmem>>) semaphore(%arg33 : memref<!tpu.dma_semaphore, #tpu.memory_space<semaphore_mem>>)
    %dma_start3A_62 = arith.constant 0 : i32
    %dma_start3A_63 = tpu.memref_slice %arg4[%mul3A_14, %dma_start3A_62] : memref<16384x128xf32, #tpu.memory_space<hbm>> -> memref<64x128xf32, #tpu.memory_space<hbm>>
    %dma_start3A_64 = arith.constant 0 : i32
    %dma_start3A_65 = tpu.memref_slice %arg4[%mul3A_14, %dma_start3A_64] : memref<16384x128xf32, #tpu.memory_space<hbm>> -> memref<64x128xf32, #tpu.memory_space<hbm>>
    tpu.enqueue_dma source(%dma_start3A_65 : memref<64x128xf32, #tpu.memory_space<hbm>>) target(%arg23 : memref<64x128xf32, #tpu.memory_space<vmem>>) target_semaphore(%arg33 : memref<!tpu.dma_semaphore, #tpu.memory_space<semaphore_mem>>)
    %dma_start3A_66 = arith.constant 48 : i32
    %dma_start3A_67 = tpu.memref_slice %arg12[%dma_start3A_66] : memref<128xi32, #tpu.memory_space<vmem>> -> memref<16xi32, #tpu.memory_space<vmem>>
    %dma_start3A_68 = arith.constant 0 : i32
    %dma_start3A_69 = arith.constant 0 : i32
    %dma_start3A_70 = arith.constant 0 : i32
    %dma_start3A_71 = tpu.memref_slice %arg2[%dma_start3A_68, %dma_start3A_69, %dma_start3A_70] : memref<1000x4x128xf32, #tpu.memory_space<hbm>> -> memref<1000x4x128xf32, #tpu.memory_space<hbm>>
    tpu.enqueue_indirect_dma source(%dma_start3A_71 : memref<1000x4x128xf32, #tpu.memory_space<hbm>>) target(%arg16 : memref<16x4x128xf32, #tpu.memory_space<vmem>>) offsets(%dma_start3A_67 : memref<16xi32, #tpu.memory_space<vmem>>) semaphore(%arg34 : memref<!tpu.dma_semaphore, #tpu.memory_space<semaphore_mem>>)
    %dma_start3A_72 = arith.constant 48 : i32
    %dma_start3A_73 = tpu.memref_slice %arg12[%dma_start3A_72] : memref<128xi32, #tpu.memory_space<vmem>> -> memref<16xi32, #tpu.memory_space<vmem>>
    %dma_start3A_74 = arith.constant 0 : i32
    %dma_start3A_75 = arith.constant 0 : i32
    %dma_start3A_76 = arith.constant 0 : i32
    %dma_start3A_77 = tpu.memref_slice %arg3[%dma_start3A_74, %dma_start3A_75, %dma_start3A_76] : memref<1000x4x128xf32, #tpu.memory_space<hbm>> -> memref<1000x4x128xf32, #tpu.memory_space<hbm>>
    tpu.enqueue_indirect_dma source(%dma_start3A_77 : memref<1000x4x128xf32, #tpu.memory_space<hbm>>) target(%arg20 : memref<16x4x128xf32, #tpu.memory_space<vmem>>) offsets(%dma_start3A_73 : memref<16xi32, #tpu.memory_space<vmem>>) semaphore(%arg34 : memref<!tpu.dma_semaphore, #tpu.memory_space<semaphore_mem>>)
    %dma_start3A_78 = arith.constant 0 : i32
    %dma_start3A_79 = tpu.memref_slice %arg4[%mul3A_18, %dma_start3A_78] : memref<16384x128xf32, #tpu.memory_space<hbm>> -> memref<64x128xf32, #tpu.memory_space<hbm>>
    %dma_start3A_80 = arith.constant 0 : i32
    %dma_start3A_81 = tpu.memref_slice %arg4[%mul3A_18, %dma_start3A_80] : memref<16384x128xf32, #tpu.memory_space<hbm>> -> memref<64x128xf32, #tpu.memory_space<hbm>>
    tpu.enqueue_dma source(%dma_start3A_81 : memref<64x128xf32, #tpu.memory_space<hbm>>) target(%arg24 : memref<64x128xf32, #tpu.memory_space<vmem>>) target_semaphore(%arg34 : memref<!tpu.dma_semaphore, #tpu.memory_space<semaphore_mem>>)
    "tpu.region"() ({
      %run_scoped3A = tpu.sem_alloc : memref<!tpu.dma_semaphore, #tpu.memory_space<semaphore_mem>>
      tpu.enqueue_dma source(%arg6 : memref<1000xf32, #tpu.memory_space<hbm>>) target(%arg27 : memref<1000xf32, #tpu.memory_space<vmem>>) target_semaphore(%run_scoped3A : memref<!tpu.dma_semaphore, #tpu.memory_space<semaphore_mem>>)
      tpu.wait_dma2 semaphore(%run_scoped3A : memref<!tpu.dma_semaphore, #tpu.memory_space<semaphore_mem>>) src(%arg6 : memref<1000xf32, #tpu.memory_space<hbm>>) dst(%arg27 : memref<1000xf32, #tpu.memory_space<vmem>>)
      tpu.yield
    }) : () -> ()
    "tpu.region"() ({
      %run_scoped3A = tpu.sem_alloc : memref<!tpu.dma_semaphore, #tpu.memory_space<semaphore_mem>>
      tpu.enqueue_dma source(%arg7 : memref<1000xf32, #tpu.memory_space<hbm>>) target(%arg28 : memref<1000xf32, #tpu.memory_space<vmem>>) target_semaphore(%run_scoped3A : memref<!tpu.dma_semaphore, #tpu.memory_space<semaphore_mem>>)
      tpu.wait_dma2 semaphore(%run_scoped3A : memref<!tpu.dma_semaphore, #tpu.memory_space<semaphore_mem>>) src(%arg7 : memref<1000xf32, #tpu.memory_space<hbm>>) dst(%arg28 : memref<1000xf32, #tpu.memory_space<vmem>>)
      tpu.yield
    }) : () -> ()
    "tpu.region"() ({
      %run_scoped3A = tpu.sem_alloc : memref<!tpu.dma_semaphore, #tpu.memory_space<semaphore_mem>>
      %dma_start3A_110 = tpu.memref_slice %arg8[%mul3A_2] : memref<4096xf32, #tpu.memory_space<hbm>> -> memref<128xf32, #tpu.memory_space<hbm>>
      %dma_start3A_111 = tpu.memref_slice %arg8[%mul3A_2] : memref<4096xf32, #tpu.memory_space<hbm>> -> memref<128xf32, #tpu.memory_space<hbm>>
      tpu.enqueue_dma source(%dma_start3A_111 : memref<128xf32, #tpu.memory_space<hbm>>) target(%arg29 : memref<128xf32, #tpu.memory_space<vmem>>) target_semaphore(%run_scoped3A : memref<!tpu.dma_semaphore, #tpu.memory_space<semaphore_mem>>)
      %dma_wait3A_112 = tpu.memref_slice %arg8[%mul3A_2] : memref<4096xf32, #tpu.memory_space<hbm>> -> memref<128xf32, #tpu.memory_space<hbm>>
      %dma_wait3A_113 = tpu.memref_slice %arg8[%mul3A_2] : memref<4096xf32, #tpu.memory_space<hbm>> -> memref<128xf32, #tpu.memory_space<hbm>>
      tpu.wait_dma2 semaphore(%run_scoped3A : memref<!tpu.dma_semaphore, #tpu.memory_space<semaphore_mem>>) src(%dma_wait3A_113 : memref<128xf32, #tpu.memory_space<hbm>>) dst(%arg29 : memref<128xf32, #tpu.memory_space<vmem>>)
      tpu.yield
    }) : () -> ()
    %scan3A = arith.constant 0 : i32
    %scan3A_82 = arith.constant 0 : i32
    %scan3A_83 = arith.constant 8 : i32
    %scan3A_84 = arith.addi %scan3A_82, %scan3A_83 : i32
    %scan3A_85 = arith.constant 1 : i32
    %scan3A_86 = scf.for %scan3A_110 = %scan3A_82 to %scan3A_84 step %scan3A_85 iter_args(%scan3A_111 = %scan3A) -> (i32)  : i32 {
      %mul3A_112 = arith.constant 16 : i32
      %mul3A_113 = arith.muli %scan3A_110, %mul3A_112 : i32
      %get3A = arith.index_cast %mul3A_113 : i32 to index
      %get3A_114 = tpu.vector_load %arg12[%get3A] {strides = array<i32>} : memref<128xi32, #tpu.memory_space<vmem>>, vector<16xi32>,
      %gather3A = tpu.vector_load_idx %arg27[%get3A_114] : memref<1000xf32, #tpu.memory_space<vmem>>[vector<16xi32>], vector<16xf32>,
      %gather3A_115 = tpu.vector_load_idx %arg28[%get3A_114] : memref<1000xf32, #tpu.memory_space<vmem>>[vector<16xi32>], vector<16xf32>,
      %exp3A = math.exp %gather3A_115 : vector<16xf32>
      %mul3A_116 = arith.constant 16 : i32
      %mul3A_117 = arith.muli %scan3A_110, %mul3A_116 : i32
      %get3A_118 = arith.index_cast %mul3A_117 : i32 to index
      %get3A_119 = tpu.vector_load %arg29[%get3A_118] {strides = array<i32>} : memref<128xf32, #tpu.memory_space<vmem>>, vector<16xf32>,
      %mul3A_120 = arith.mulf %exp3A, %get3A_119 : vector<16xf32>
      %add3A_121 = arith.addf %gather3A, %mul3A_120 : vector<16xf32>
      %exp3A_122 = math.exp %add3A_121 : vector<16xf32>
      %mul3A_123 = arith.constant 16 : i32
      %mul3A_124 = arith.muli %scan3A_110, %mul3A_123 : i32
      %swap3A = arith.index_cast %mul3A_124 : i32 to index
      %swap3A_125 = tpu.vector_load %arg30[%swap3A] {strides = array<i32>} : memref<128xf32, #tpu.memory_space<vmem>>, vector<16xf32>,
      tpu.vector_store %arg30[%swap3A], %exp3A_122 {strides = array<i32>} : memref<128xf32, #tpu.memory_space<vmem>>, vector<16xf32>,
      %scan3A_126 = arith.constant 0 : i32
      scf.yield %scan3A_126 : i32
    }
    %scan3A_87 = arith.constant 8 : i32
    "tpu.region"() ({
      %run_scoped3A = tpu.sem_alloc : memref<!tpu.dma_semaphore, #tpu.memory_space<semaphore_mem>>
      %dma_start3A_110 = tpu.memref_slice %arg10[%mul3A_2] : memref<4096xf32, #tpu.memory_space<hbm>> -> memref<128xf32, #tpu.memory_space<hbm>>
      %dma_start3A_111 = tpu.memref_slice %arg10[%mul3A_2] : memref<4096xf32, #tpu.memory_space<hbm>> -> memref<128xf32, #tpu.memory_space<hbm>>
      tpu.enqueue_dma source(%arg30 : memref<128xf32, #tpu.memory_space<vmem>>) target(%dma_start3A_111 : memref<128xf32, #tpu.memory_space<hbm>>) target_semaphore(%run_scoped3A : memref<!tpu.dma_semaphore, #tpu.memory_space<semaphore_mem>>)
      %dma_wait3A_112 = tpu.memref_slice %arg10[%mul3A_2] : memref<4096xf32, #tpu.memory_space<hbm>> -> memref<128xf32, #tpu.memory_space<hbm>>
      %dma_wait3A_113 = tpu.memref_slice %arg10[%mul3A_2] : memref<4096xf32, #tpu.memory_space<hbm>> -> memref<128xf32, #tpu.memory_space<hbm>>
      tpu.wait_dma2 semaphore(%run_scoped3A : memref<!tpu.dma_semaphore, #tpu.memory_space<semaphore_mem>>) src(%arg30 : memref<128xf32, #tpu.memory_space<vmem>>) dst(%dma_wait3A_113 : memref<128xf32, #tpu.memory_space<hbm>>)
      tpu.yield
    }) : () -> ()
    %scan3A_88 = arith.constant 0 : i32
    %scan3A_89 = arith.constant 0 : i32
    %scan3A_90 = arith.constant 2 : i32
    %scan3A_91 = arith.addi %scan3A_89, %scan3A_90 : i32
    %scan3A_92 = arith.constant 1 : i32
    %scan3A_93 = scf.for %scan3A_110 = %scan3A_89 to %scan3A_91 step %scan3A_92 iter_args(%scan3A_111 = %scan3A_88) -> (i32)  : i32 {
      %mul3A_112 = arith.constant 4 : i32
      %mul3A_113 = arith.muli %scan3A_110, %mul3A_112 : i32
      %add3A_114 = arith.constant 0 : i32
      %add3A_115 = arith.addi %mul3A_113, %add3A_114 : i32
      %mul3A_116 = arith.constant 16 : i32
      %mul3A_117 = arith.muli %add3A_115, %mul3A_116 : i32
      %mul3A_118 = arith.constant 16 : i32
      %mul3A_119 = arith.muli %add3A_115, %mul3A_118 : i32
      %add3A_120 = arith.addi %mul3A_2, %mul3A_119 : i32
      %mul3A_121 = arith.constant 4 : i32
      %mul3A_122 = arith.muli %add3A_120, %mul3A_121 : i32
      %dma_wait3A_123 = tpu.memref_slice %arg12[%mul3A_117] : memref<128xi32, #tpu.memory_space<vmem>> -> memref<16xi32, #tpu.memory_space<vmem>>
      %dma_wait3A_124 = arith.constant 0 : i32
      %dma_wait3A_125 = arith.constant 0 : i32
      %dma_wait3A_126 = arith.constant 0 : i32
      %dma_wait3A_127 = tpu.memref_slice %arg2[%dma_wait3A_124, %dma_wait3A_125, %dma_wait3A_126] : memref<1000x4x128xf32, #tpu.memory_space<hbm>> -> memref<1000x4x128xf32, #tpu.memory_space<hbm>>
      tpu.wait_indirect_dma semaphore(%arg31 : memref<!tpu.dma_semaphore, #tpu.memory_space<semaphore_mem>>) src(%dma_wait3A_127 : memref<1000x4x128xf32, #tpu.memory_space<hbm>>) dst(%arg13 : memref<16x4x128xf32, #tpu.memory_space<vmem>>)
      %dma_wait3A_128 = tpu.memref_slice %arg12[%mul3A_117] : memref<128xi32, #tpu.memory_space<vmem>> -> memref<16xi32, #tpu.memory_space<vmem>>
      %dma_wait3A_129 = arith.constant 0 : i32
      %dma_wait3A_130 = arith.constant 0 : i32
      %dma_wait3A_131 = arith.constant 0 : i32
      %dma_wait3A_132 = tpu.memref_slice %arg3[%dma_wait3A_129, %dma_wait3A_130, %dma_wait3A_131] : memref<1000x4x128xf32, #tpu.memory_space<hbm>> -> memref<1000x4x128xf32, #tpu.memory_space<hbm>>
      tpu.wait_indirect_dma semaphore(%arg31 : memref<!tpu.dma_semaphore, #tpu.memory_space<semaphore_mem>>) src(%dma_wait3A_132 : memref<1000x4x128xf32, #tpu.memory_space<hbm>>) dst(%arg17 : memref<16x4x128xf32, #tpu.memory_space<vmem>>)
      %dma_wait3A_133 = arith.constant 0 : i32
      %dma_wait3A_134 = tpu.memref_slice %arg4[%mul3A_122, %dma_wait3A_133] : memref<16384x128xf32, #tpu.memory_space<hbm>> -> memref<64x128xf32, #tpu.memory_space<hbm>>
      %dma_wait3A_135 = arith.constant 0 : i32
      %dma_wait3A_136 = tpu.memref_slice %arg4[%mul3A_122, %dma_wait3A_135] : memref<16384x128xf32, #tpu.memory_space<hbm>> -> memref<64x128xf32, #tpu.memory_space<hbm>>
      tpu.wait_dma2 semaphore(%arg31 : memref<!tpu.dma_semaphore, #tpu.memory_space<semaphore_mem>>) src(%dma_wait3A_136 : memref<64x128xf32, #tpu.memory_space<hbm>>) dst(%arg21 : memref<64x128xf32, #tpu.memory_space<vmem>>)
      %ge3A = arith.constant 2 : i32
      %ge3A_137 = arith.cmpi sge, %add3A_115, %ge3A : i32
      %convert_element_type3A = arith.extui %ge3A_137 : i1 to i32
      %cond3A = arith.constant 0 : i32
      %cond3A_138 = arith.cmpi ne, %convert_element_type3A, %cond3A : i32
      scf.if %cond3A_138 {
        %sub3A = arith.constant 2 : i32
        %sub3A_321 = arith.subi %add3A_115, %sub3A : i32
        %mul3A_322 = arith.constant 16 : i32
        %mul3A_323 = arith.muli %sub3A_321, %mul3A_322 : i32
        %add3A_324 = arith.addi %mul3A_2, %mul3A_323 : i32
        %mul3A_325 = arith.constant 4 : i32
        %mul3A_326 = arith.muli %add3A_324, %mul3A_325 : i32
        %dma_wait3A_327 = arith.constant 0 : i32
        %dma_wait3A_328 = tpu.memref_slice %arg9[%mul3A_326, %dma_wait3A_327] : memref<16384x128xf32, #tpu.memory_space<hbm>> -> memref<64x128xf32, #tpu.memory_space<hbm>>
        %dma_wait3A_329 = arith.constant 0 : i32
        %dma_wait3A_330 = tpu.memref_slice %arg9[%mul3A_326, %dma_wait3A_329] : memref<16384x128xf32, #tpu.memory_space<hbm>> -> memref<64x128xf32, #tpu.memory_space<hbm>>
        tpu.wait_dma2 semaphore(%arg35 : memref<!tpu.dma_semaphore, #tpu.memory_space<semaphore_mem>>) src(%arg25 : memref<64x128xf32, #tpu.memory_space<vmem>>) dst(%dma_wait3A_330 : memref<64x128xf32, #tpu.memory_space<hbm>>)
      } else {
      }
      %scan3A_139 = arith.constant 0 : i32
      %scan3A_140 = arith.constant 0 : i32
      %scan3A_141 = arith.constant 64 : i32
      %scan3A_142 = arith.addi %scan3A_140, %scan3A_141 : i32
      %scan3A_143 = arith.constant 1 : i32
      %scan3A_144 = scf.for %scan3A_321 = %scan3A_140 to %scan3A_142 step %scan3A_143 iter_args(%scan3A_322 = %scan3A_139) -> (i32)  : i32 {
        %jit3A = arith.constant 4 : i32
        %div3A = arith.divsi %scan3A_321, %jit3A : i32
        %sign3A = arith.constant 0 : i32
        %sign3A_323 = arith.cmpi sgt, %scan3A_321, %sign3A : i32
        %sign3A_324 = arith.extui %sign3A_323 : i1 to i32
        %sign3A_325 = arith.constant 0 : i32
        %sign3A_326 = arith.cmpi slt, %scan3A_321, %sign3A_325 : i32
        %sign3A_327 = arith.extui %sign3A_326 : i1 to i32
        %sign3A_328 = arith.subi %sign3A_324, %sign3A_327 : i32
        %sign3A_329 = arith.constant 0 : i32
        %sign3A_330 = arith.cmpi sgt, %jit3A, %sign3A_329 : i32
        %sign3A_331 = arith.extui %sign3A_330 : i1 to i32
        %sign3A_332 = arith.constant 0 : i32
        %sign3A_333 = arith.cmpi slt, %jit3A, %sign3A_332 : i32
        %sign3A_334 = arith.extui %sign3A_333 : i1 to i32
        %sign3A_335 = arith.subi %sign3A_331, %sign3A_334 : i32
        %ne3A = arith.cmpi ne, %sign3A_328, %sign3A_335 : i32
        %rem3A = arith.remsi %scan3A_321, %jit3A : i32
        %ne3A_336 = arith.constant 0 : i32
        %ne3A_337 = arith.cmpi ne, %rem3A, %ne3A_336 : i32
        %and3A = arith.andi %ne3A, %ne3A_337 : i1
        %sub3A = arith.constant 1 : i32
        %sub3A_338 = arith.subi %div3A, %sub3A : i32
        %select_n3A = arith.select %and3A, %sub3A_338, %div3A : i32
        %jit3A_339 = arith.constant 4 : i32
        %eq3A = arith.constant 0 : i32
        %eq3A_340 = arith.cmpi eq, %jit3A_339, %eq3A : i32
        %jit3A_341 = arith.constant 1 : i32
        %select_n3A_342 = arith.select %eq3A_340, %jit3A_341, %jit3A_339 : i32
        %rem3A_343 = arith.remsi %scan3A_321, %select_n3A_342 : i32
        %ne3A_344 = arith.constant 0 : i32
        %ne3A_345 = arith.cmpi ne, %rem3A_343, %ne3A_344 : i32
        %lt3A_346 = arith.constant 0 : i32
        %lt3A_347 = arith.cmpi slt, %rem3A_343, %lt3A_346 : i32
        %lt3A_348 = arith.constant 0 : i32
        %lt3A_349 = arith.cmpi slt, %select_n3A_342, %lt3A_348 : i32
        %ne3A_350 = arith.xori %lt3A_347, %lt3A_349 : i1
        %and3A_351 = arith.andi %ne3A_350, %ne3A_345 : i1
        %add3A_352 = arith.addi %rem3A_343, %select_n3A_342 : i32
        %select_n3A_353 = arith.select %and3A_351, %add3A_352, %rem3A_343 : i32
        %get3A = arith.index_cast %select_n3A : i32 to index
        %get3A_354 = arith.index_cast %select_n3A_353 : i32 to index
        %get3A_355 = arith.constant 0 : index
        %get3A_356 = tpu.vector_load %arg13[%get3A, %get3A_354, %get3A_355] {strides = array<i32>} : memref<16x4x128xf32, #tpu.memory_space<vmem>>, vector<16xf32>,
        %get3A_357 = arith.index_cast %select_n3A : i32 to index
        %get3A_358 = arith.index_cast %select_n3A_353 : i32 to index
        %get3A_359 = arith.constant 0 : index
        %get3A_360 = tpu.vector_load %arg17[%get3A_357, %get3A_358, %get3A_359] {strides = array<i32>} : memref<16x4x128xf32, #tpu.memory_space<vmem>>, vector<16xf32>,
        %exp3A = math.exp %get3A_360 : vector<16xf32>
        %get3A_361 = arith.index_cast %scan3A_321 : i32 to index
        %get3A_362 = arith.constant 0 : index
        %get3A_363 = tpu.vector_load %arg21[%get3A_361, %get3A_362] {strides = array<i32>} : memref<64x128xf32, #tpu.memory_space<vmem>>, vector<16xf32>,
        %mul3A_364 = arith.mulf %exp3A, %get3A_363 : vector<16xf32>
        %add3A_365 = arith.addf %get3A_356, %mul3A_364 : vector<16xf32>
        %swap3A = arith.index_cast %scan3A_321 : i32 to index
        %swap3A_366 = arith.constant 0 : index
        %swap3A_367 = tpu.vector_load %arg25[%swap3A, %swap3A_366] {strides = array<i32>} : memref<64x128xf32, #tpu.memory_space<vmem>>, vector<16xf32>,
        tpu.vector_store %arg25[%swap3A, %swap3A_366], %add3A_365 {strides = array<i32>} : memref<64x128xf32, #tpu.memory_space<vmem>>, vector<16xf32>,
        %get3A_368 = arith.index_cast %select_n3A : i32 to index
        %get3A_369 = arith.index_cast %select_n3A_353 : i32 to index
        %get3A_370 = arith.constant 16 : index
        %get3A_371 = tpu.vector_load %arg13[%get3A_368, %get3A_369, %get3A_370] {strides = array<i32>} : memref<16x4x128xf32, #tpu.memory_space<vmem>>, vector<16xf32>,
        %get3A_372 = arith.index_cast %select_n3A : i32 to index
        %get3A_373 = arith.index_cast %select_n3A_353 : i32 to index
        %get3A_374 = arith.constant 16 : index
        %get3A_375 = tpu.vector_load %arg17[%get3A_372, %get3A_373, %get3A_374] {strides = array<i32>} : memref<16x4x128xf32, #tpu.memory_space<vmem>>, vector<16xf32>,
        %exp3A_376 = math.exp %get3A_375 : vector<16xf32>
        %get3A_377 = arith.index_cast %scan3A_321 : i32 to index
        %get3A_378 = arith.constant 16 : index
        %get3A_379 = tpu.vector_load %arg21[%get3A_377, %get3A_378] {strides = array<i32>} : memref<64x128xf32, #tpu.memory_space<vmem>>, vector<16xf32>,
        %mul3A_380 = arith.mulf %exp3A_376, %get3A_379 : vector<16xf32>
        %add3A_381 = arith.addf %get3A_371, %mul3A_380 : vector<16xf32>
        %swap3A_382 = arith.index_cast %scan3A_321 : i32 to index
        %swap3A_383 = arith.constant 16 : index
        %swap3A_384 = tpu.vector_load %arg25[%swap3A_382, %swap3A_383] {strides = array<i32>} : memref<64x128xf32, #tpu.memory_space<vmem>>, vector<16xf32>,
        tpu.vector_store %arg25[%swap3A_382, %swap3A_383], %add3A_381 {strides = array<i32>} : memref<64x128xf32, #tpu.memory_space<vmem>>, vector<16xf32>,
        %get3A_385 = arith.index_cast %select_n3A : i32 to index
        %get3A_386 = arith.index_cast %select_n3A_353 : i32 to index
        %get3A_387 = arith.constant 32 : index
        %get3A_388 = tpu.vector_load %arg13[%get3A_385, %get3A_386, %get3A_387] {strides = array<i32>} : memref<16x4x128xf32, #tpu.memory_space<vmem>>, vector<16xf32>,
        %get3A_389 = arith.index_cast %select_n3A : i32 to index
        %get3A_390 = arith.index_cast %select_n3A_353 : i32 to index
        %get3A_391 = arith.constant 32 : index
        %get3A_392 = tpu.vector_load %arg17[%get3A_389, %get3A_390, %get3A_391] {strides = array<i32>} : memref<16x4x128xf32, #tpu.memory_space<vmem>>, vector<16xf32>,
        %exp3A_393 = math.exp %get3A_392 : vector<16xf32>
        %get3A_394 = arith.index_cast %scan3A_321 : i32 to index
        %get3A_395 = arith.constant 32 : index
        %get3A_396 = tpu.vector_load %arg21[%get3A_394, %get3A_395] {strides = array<i32>} : memref<64x128xf32, #tpu.memory_space<vmem>>, vector<16xf32>,
        %mul3A_397 = arith.mulf %exp3A_393, %get3A_396 : vector<16xf32>
        %add3A_398 = arith.addf %get3A_388, %mul3A_397 : vector<16xf32>
        %swap3A_399 = arith.index_cast %scan3A_321 : i32 to index
        %swap3A_400 = arith.constant 32 : index
        %swap3A_401 = tpu.vector_load %arg25[%swap3A_399, %swap3A_400] {strides = array<i32>} : memref<64x128xf32, #tpu.memory_space<vmem>>, vector<16xf32>,
        tpu.vector_store %arg25[%swap3A_399, %swap3A_400], %add3A_398 {strides = array<i32>} : memref<64x128xf32, #tpu.memory_space<vmem>>, vector<16xf32>,
        %get3A_402 = arith.index_cast %select_n3A : i32 to index
        %get3A_403 = arith.index_cast %select_n3A_353 : i32 to index
        %get3A_404 = arith.constant 48 : index
        %get3A_405 = tpu.vector_load %arg13[%get3A_402, %get3A_403, %get3A_404] {strides = array<i32>} : memref<16x4x128xf32, #tpu.memory_space<vmem>>, vector<16xf32>,
        %get3A_406 = arith.index_cast %select_n3A : i32 to index
        %get3A_407 = arith.index_cast %select_n3A_353 : i32 to index
        %get3A_408 = arith.constant 48 : index
        %get3A_409 = tpu.vector_load %arg17[%get3A_406, %get3A_407, %get3A_408] {strides = array<i32>} : memref<16x4x128xf32, #tpu.memory_space<vmem>>, vector<16xf32>,
        %exp3A_410 = math.exp %get3A_409 : vector<16xf32>
        %get3A_411 = arith.index_cast %scan3A_321 : i32 to index
        %get3A_412 = arith.constant 48 : index
        %get3A_413 = tpu.vector_load %arg21[%get3A_411, %get3A_412] {strides = array<i32>} : memref<64x128xf32, #tpu.memory_space<vmem>>, vector<16xf32>,
        %mul3A_414 = arith.mulf %exp3A_410, %get3A_413 : vector<16xf32>
        %add3A_415 = arith.addf %get3A_405, %mul3A_414 : vector<16xf32>
        %swap3A_416 = arith.index_cast %scan3A_321 : i32 to index
        %swap3A_417 = arith.constant 48 : index
        %swap3A_418 = tpu.vector_load %arg25[%swap3A_416, %swap3A_417] {strides = array<i32>} : memref<64x128xf32, #tpu.memory_space<vmem>>, vector<16xf32>,
        tpu.vector_store %arg25[%swap3A_416, %swap3A_417], %add3A_415 {strides = array<i32>} : memref<64x128xf32, #tpu.memory_space<vmem>>, vector<16xf32>,
        %get3A_419 = arith.index_cast %select_n3A : i32 to index
        %get3A_420 = arith.index_cast %select_n3A_353 : i32 to index
        %get3A_421 = arith.constant 64 : index
        %get3A_422 = tpu.vector_load %arg13[%get3A_419, %get3A_420, %get3A_421] {strides = array<i32>} : memref<16x4x128xf32, #tpu.memory_space<vmem>>, vector<16xf32>,
        %get3A_423 = arith.index_cast %select_n3A : i32 to index
        %get3A_424 = arith.index_cast %select_n3A_353 : i32 to index
        %get3A_425 = arith.constant 64 : index
        %get3A_426 = tpu.vector_load %arg17[%get3A_423, %get3A_424, %get3A_425] {strides = array<i32>} : memref<16x4x128xf32, #tpu.memory_space<vmem>>, vector<16xf32>,
        %exp3A_427 = math.exp %get3A_426 : vector<16xf32>
        %get3A_428 = arith.index_cast %scan3A_321 : i32 to index
        %get3A_429 = arith.constant 64 : index
        %get3A_430 = tpu.vector_load %arg21[%get3A_428, %get3A_429] {strides = array<i32>} : memref<64x128xf32, #tpu.memory_space<vmem>>, vector<16xf32>,
        %mul3A_431 = arith.mulf %exp3A_427, %get3A_430 : vector<16xf32>
        %add3A_432 = arith.addf %get3A_422, %mul3A_431 : vector<16xf32>
        %swap3A_433 = arith.index_cast %scan3A_321 : i32 to index
        %swap3A_434 = arith.constant 64 : index
        %swap3A_435 = tpu.vector_load %arg25[%swap3A_433, %swap3A_434] {strides = array<i32>} : memref<64x128xf32, #tpu.memory_space<vmem>>, vector<16xf32>,
        tpu.vector_store %arg25[%swap3A_433, %swap3A_434], %add3A_432 {strides = array<i32>} : memref<64x128xf32, #tpu.memory_space<vmem>>, vector<16xf32>,
        %get3A_436 = arith.index_cast %select_n3A : i32 to index
        %get3A_437 = arith.index_cast %select_n3A_353 : i32 to index
        %get3A_438 = arith.constant 80 : index
        %get3A_439 = tpu.vector_load %arg13[%get3A_436, %get3A_437, %get3A_438] {strides = array<i32>} : memref<16x4x128xf32, #tpu.memory_space<vmem>>, vector<16xf32>,
        %get3A_440 = arith.index_cast %select_n3A : i32 to index
        %get3A_441 = arith.index_cast %select_n3A_353 : i32 to index
        %get3A_442 = arith.constant 80 : index
        %get3A_443 = tpu.vector_load %arg17[%get3A_440, %get3A_441, %get3A_442] {strides = array<i32>} : memref<16x4x128xf32, #tpu.memory_space<vmem>>, vector<16xf32>,
        %exp3A_444 = math.exp %get3A_443 : vector<16xf32>
        %get3A_445 = arith.index_cast %scan3A_321 : i32 to index
        %get3A_446 = arith.constant 80 : index
        %get3A_447 = tpu.vector_load %arg21[%get3A_445, %get3A_446] {strides = array<i32>} : memref<64x128xf32, #tpu.memory_space<vmem>>, vector<16xf32>,
        %mul3A_448 = arith.mulf %exp3A_444, %get3A_447 : vector<16xf32>
        %add3A_449 = arith.addf %get3A_439, %mul3A_448 : vector<16xf32>
        %swap3A_450 = arith.index_cast %scan3A_321 : i32 to index
        %swap3A_451 = arith.constant 80 : index
        %swap3A_452 = tpu.vector_load %arg25[%swap3A_450, %swap3A_451] {strides = array<i32>} : memref<64x128xf32, #tpu.memory_space<vmem>>, vector<16xf32>,
        tpu.vector_store %arg25[%swap3A_450, %swap3A_451], %add3A_449 {strides = array<i32>} : memref<64x128xf32, #tpu.memory_space<vmem>>, vector<16xf32>,
        %get3A_453 = arith.index_cast %select_n3A : i32 to index
        %get3A_454 = arith.index_cast %select_n3A_353 : i32 to index
        %get3A_455 = arith.constant 96 : index
        %get3A_456 = tpu.vector_load %arg13[%get3A_453, %get3A_454, %get3A_455] {strides = array<i32>} : memref<16x4x128xf32, #tpu.memory_space<vmem>>, vector<16xf32>,
        %get3A_457 = arith.index_cast %select_n3A : i32 to index
        %get3A_458 = arith.index_cast %select_n3A_353 : i32 to index
        %get3A_459 = arith.constant 96 : index
        %get3A_460 = tpu.vector_load %arg17[%get3A_457, %get3A_458, %get3A_459] {strides = array<i32>} : memref<16x4x128xf32, #tpu.memory_space<vmem>>, vector<16xf32>,
        %exp3A_461 = math.exp %get3A_460 : vector<16xf32>
        %get3A_462 = arith.index_cast %scan3A_321 : i32 to index
        %get3A_463 = arith.constant 96 : index
        %get3A_464 = tpu.vector_load %arg21[%get3A_462, %get3A_463] {strides = array<i32>} : memref<64x128xf32, #tpu.memory_space<vmem>>, vector<16xf32>,
        %mul3A_465 = arith.mulf %exp3A_461, %get3A_464 : vector<16xf32>
        %add3A_466 = arith.addf %get3A_456, %mul3A_465 : vector<16xf32>
        %swap3A_467 = arith.index_cast %scan3A_321 : i32 to index
        %swap3A_468 = arith.constant 96 : index
        %swap3A_469 = tpu.vector_load %arg25[%swap3A_467, %swap3A_468] {strides = array<i32>} : memref<64x128xf32, #tpu.memory_space<vmem>>, vector<16xf32>,
        tpu.vector_store %arg25[%swap3A_467, %swap3A_468], %add3A_466 {strides = array<i32>} : memref<64x128xf32, #tpu.memory_space<vmem>>, vector<16xf32>,
        %get3A_470 = arith.index_cast %select_n3A : i32 to index
        %get3A_471 = arith.index_cast %select_n3A_353 : i32 to index
        %get3A_472 = arith.constant 112 : index
        %get3A_473 = tpu.vector_load %arg13[%get3A_470, %get3A_471, %get3A_472] {strides = array<i32>} : memref<16x4x128xf32, #tpu.memory_space<vmem>>, vector<16xf32>,
        %get3A_474 = arith.index_cast %select_n3A : i32 to index
        %get3A_475 = arith.index_cast %select_n3A_353 : i32 to index
        %get3A_476 = arith.constant 112 : index
        %get3A_477 = tpu.vector_load %arg17[%get3A_474, %get3A_475, %get3A_476] {strides = array<i32>} : memref<16x4x128xf32, #tpu.memory_space<vmem>>, vector<16xf32>,
        %exp3A_478 = math.exp %get3A_477 : vector<16xf32>
        %get3A_479 = arith.index_cast %scan3A_321 : i32 to index
        %get3A_480 = arith.constant 112 : index
        %get3A_481 = tpu.vector_load %arg21[%get3A_479, %get3A_480] {strides = array<i32>} : memref<64x128xf32, #tpu.memory_space<vmem>>, vector<16xf32>,
        %mul3A_482 = arith.mulf %exp3A_478, %get3A_481 : vector<16xf32>
        %add3A_483 = arith.addf %get3A_473, %mul3A_482 : vector<16xf32>
        %swap3A_484 = arith.index_cast %scan3A_321 : i32 to index
        %swap3A_485 = arith.constant 112 : index
        %swap3A_486 = tpu.vector_load %arg25[%swap3A_484, %swap3A_485] {strides = array<i32>} : memref<64x128xf32, #tpu.memory_space<vmem>>, vector<16xf32>,
        tpu.vector_store %arg25[%swap3A_484, %swap3A_485], %add3A_483 {strides = array<i32>} : memref<64x128xf32, #tpu.memory_space<vmem>>, vector<16xf32>,
        %scan3A_487 = arith.constant 0 : i32
        scf.yield %scan3A_487 : i32
      }
      %scan3A_145 = arith.constant 64 : i32
      %add3A_146 = arith.constant 4 : i32
      %add3A_147 = arith.addi %add3A_115, %add3A_146 : i32
      %lt3A = arith.constant 8 : i32
      %lt3A_148 = arith.cmpi slt, %add3A_147, %lt3A : i32
      %convert_element_type3A_149 = arith.extui %lt3A_148 : i1 to i32
      %cond3A_150 = arith.constant 0 : i32
      %cond3A_151 = arith.cmpi ne, %convert_element_type3A_149, %cond3A_150 : i32
      scf.if %cond3A_151 {
        %add3A_321 = arith.constant 4 : i32
        %add3A_322 = arith.addi %add3A_115, %add3A_321 : i32
        %mul3A_323 = arith.constant 16 : i32
        %mul3A_324 = arith.muli %add3A_322, %mul3A_323 : i32
        %mul3A_325 = arith.constant 16 : i32
        %mul3A_326 = arith.muli %add3A_322, %mul3A_325 : i32
        %add3A_327 = arith.addi %mul3A_2, %mul3A_326 : i32
        %mul3A_328 = arith.constant 4 : i32
        %mul3A_329 = arith.muli %add3A_327, %mul3A_328 : i32
        %dma_start3A_330 = tpu.memref_slice %arg12[%mul3A_324] : memref<128xi32, #tpu.memory_space<vmem>> -> memref<16xi32, #tpu.memory_space<vmem>>
        %dma_start3A_331 = arith.constant 0 : i32
        %dma_start3A_332 = arith.constant 0 : i32
        %dma_start3A_333 = arith.constant 0 : i32
        %dma_start3A_334 = tpu.memref_slice %arg2[%dma_start3A_331, %dma_start3A_332, %dma_start3A_333] : memref<1000x4x128xf32, #tpu.memory_space<hbm>> -> memref<1000x4x128xf32, #tpu.memory_space<hbm>>
        tpu.enqueue_indirect_dma source(%dma_start3A_334 : memref<1000x4x128xf32, #tpu.memory_space<hbm>>) target(%arg13 : memref<16x4x128xf32, #tpu.memory_space<vmem>>) offsets(%dma_start3A_330 : memref<16xi32, #tpu.memory_space<vmem>>) semaphore(%arg31 : memref<!tpu.dma_semaphore, #tpu.memory_space<semaphore_mem>>)
        %dma_start3A_335 = tpu.memref_slice %arg12[%mul3A_324] : memref<128xi32, #tpu.memory_space<vmem>> -> memref<16xi32, #tpu.memory_space<vmem>>
        %dma_start3A_336 = arith.constant 0 : i32
        %dma_start3A_337 = arith.constant 0 : i32
        %dma_start3A_338 = arith.constant 0 : i32
        %dma_start3A_339 = tpu.memref_slice %arg3[%dma_start3A_336, %dma_start3A_337, %dma_start3A_338] : memref<1000x4x128xf32, #tpu.memory_space<hbm>> -> memref<1000x4x128xf32, #tpu.memory_space<hbm>>
        tpu.enqueue_indirect_dma source(%dma_start3A_339 : memref<1000x4x128xf32, #tpu.memory_space<hbm>>) target(%arg17 : memref<16x4x128xf32, #tpu.memory_space<vmem>>) offsets(%dma_start3A_335 : memref<16xi32, #tpu.memory_space<vmem>>) semaphore(%arg31 : memref<!tpu.dma_semaphore, #tpu.memory_space<semaphore_mem>>)
        %dma_start3A_340 = arith.constant 0 : i32
        %dma_start3A_341 = tpu.memref_slice %arg4[%mul3A_329, %dma_start3A_340] : memref<16384x128xf32, #tpu.memory_space<hbm>> -> memref<64x128xf32, #tpu.memory_space<hbm>>
        %dma_start3A_342 = arith.constant 0 : i32
        %dma_start3A_343 = tpu.memref_slice %arg4[%mul3A_329, %dma_start3A_342] : memref<16384x128xf32, #tpu.memory_space<hbm>> -> memref<64x128xf32, #tpu.memory_space<hbm>>
        tpu.enqueue_dma source(%dma_start3A_343 : memref<64x128xf32, #tpu.memory_space<hbm>>) target(%arg21 : memref<64x128xf32, #tpu.memory_space<vmem>>) target_semaphore(%arg31 : memref<!tpu.dma_semaphore, #tpu.memory_space<semaphore_mem>>)
      } else {
      }
      %mul3A_152 = arith.constant 16 : i32
      %mul3A_153 = arith.muli %add3A_115, %mul3A_152 : i32
      %add3A_154 = arith.addi %mul3A_2, %mul3A_153 : i32
      %mul3A_155 = arith.constant 4 : i32
      %mul3A_156 = arith.muli %add3A_154, %mul3A_155 : i32
      %dma_start3A_157 = arith.constant 0 : i32
      %dma_start3A_158 = tpu.memref_slice %arg9[%mul3A_156, %dma_start3A_157] : memref<16384x128xf32, #tpu.memory_space<hbm>> -> memref<64x128xf32, #tpu.memory_space<hbm>>
      %dma_start3A_159 = arith.constant 0 : i32
      %dma_start3A_160 = tpu.memref_slice %arg9[%mul3A_156, %dma_start3A_159] : memref<16384x128xf32, #tpu.memory_space<hbm>> -> memref<64x128xf32, #tpu.memory_space<hbm>>
      tpu.enqueue_dma source(%arg25 : memref<64x128xf32, #tpu.memory_space<vmem>>) target(%dma_start3A_160 : memref<64x128xf32, #tpu.memory_space<hbm>>) target_semaphore(%arg35 : memref<!tpu.dma_semaphore, #tpu.memory_space<semaphore_mem>>)
      %mul3A_161 = arith.constant 4 : i32
      %mul3A_162 = arith.muli %scan3A_110, %mul3A_161 : i32
      %add3A_163 = arith.constant 1 : i32
      %add3A_164 = arith.addi %mul3A_162, %add3A_163 : i32
      %mul3A_165 = arith.constant 16 : i32
      %mul3A_166 = arith.muli %add3A_164, %mul3A_165 : i32
      %mul3A_167 = arith.constant 16 : i32
      %mul3A_168 = arith.muli %add3A_164, %mul3A_167 : i32
      %add3A_169 = arith.addi %mul3A_2, %mul3A_168 : i32
      %mul3A_170 = arith.constant 4 : i32
      %mul3A_171 = arith.muli %add3A_169, %mul3A_170 : i32
      %dma_wait3A_172 = tpu.memref_slice %arg12[%mul3A_166] : memref<128xi32, #tpu.memory_space<vmem>> -> memref<16xi32, #tpu.memory_space<vmem>>
      %dma_wait3A_173 = arith.constant 0 : i32
      %dma_wait3A_174 = arith.constant 0 : i32
      %dma_wait3A_175 = arith.constant 0 : i32
      %dma_wait3A_176 = tpu.memref_slice %arg2[%dma_wait3A_173, %dma_wait3A_174, %dma_wait3A_175] : memref<1000x4x128xf32, #tpu.memory_space<hbm>> -> memref<1000x4x128xf32, #tpu.memory_space<hbm>>
      tpu.wait_indirect_dma semaphore(%arg32 : memref<!tpu.dma_semaphore, #tpu.memory_space<semaphore_mem>>) src(%dma_wait3A_176 : memref<1000x4x128xf32, #tpu.memory_space<hbm>>) dst(%arg14 : memref<16x4x128xf32, #tpu.memory_space<vmem>>)
      %dma_wait3A_177 = tpu.memref_slice %arg12[%mul3A_166] : memref<128xi32, #tpu.memory_space<vmem>> -> memref<16xi32, #tpu.memory_space<vmem>>
      %dma_wait3A_178 = arith.constant 0 : i32
      %dma_wait3A_179 = arith.constant 0 : i32
      %dma_wait3A_180 = arith.constant 0 : i32
      %dma_wait3A_181 = tpu.memref_slice %arg3[%dma_wait3A_178, %dma_wait3A_179, %dma_wait3A_180] : memref<1000x4x128xf32, #tpu.memory_space<hbm>> -> memref<1000x4x128xf32, #tpu.memory_space<hbm>>
      tpu.wait_indirect_dma semaphore(%arg32 : memref<!tpu.dma_semaphore, #tpu.memory_space<semaphore_mem>>) src(%dma_wait3A_181 : memref<1000x4x128xf32, #tpu.memory_space<hbm>>) dst(%arg18 : memref<16x4x128xf32, #tpu.memory_space<vmem>>)
      %dma_wait3A_182 = arith.constant 0 : i32
      %dma_wait3A_183 = tpu.memref_slice %arg4[%mul3A_171, %dma_wait3A_182] : memref<16384x128xf32, #tpu.memory_space<hbm>> -> memref<64x128xf32, #tpu.memory_space<hbm>>
      %dma_wait3A_184 = arith.constant 0 : i32
      %dma_wait3A_185 = tpu.memref_slice %arg4[%mul3A_171, %dma_wait3A_184] : memref<16384x128xf32, #tpu.memory_space<hbm>> -> memref<64x128xf32, #tpu.memory_space<hbm>>
      tpu.wait_dma2 semaphore(%arg32 : memref<!tpu.dma_semaphore, #tpu.memory_space<semaphore_mem>>) src(%dma_wait3A_185 : memref<64x128xf32, #tpu.memory_space<hbm>>) dst(%arg22 : memref<64x128xf32, #tpu.memory_space<vmem>>)
      %ge3A_186 = arith.constant 2 : i32
      %ge3A_187 = arith.cmpi sge, %add3A_164, %ge3A_186 : i32
      %convert_element_type3A_188 = arith.extui %ge3A_187 : i1 to i32
      %cond3A_189 = arith.constant 0 : i32
      %cond3A_190 = arith.cmpi ne, %convert_element_type3A_188, %cond3A_189 : i32
      scf.if %cond3A_190 {
        %sub3A = arith.constant 2 : i32
        %sub3A_321 = arith.subi %add3A_164, %sub3A : i32
        %mul3A_322 = arith.constant 16 : i32
        %mul3A_323 = arith.muli %sub3A_321, %mul3A_322 : i32
        %add3A_324 = arith.addi %mul3A_2, %mul3A_323 : i32
        %mul3A_325 = arith.constant 4 : i32
        %mul3A_326 = arith.muli %add3A_324, %mul3A_325 : i32
        %dma_wait3A_327 = arith.constant 0 : i32
        %dma_wait3A_328 = tpu.memref_slice %arg9[%mul3A_326, %dma_wait3A_327] : memref<16384x128xf32, #tpu.memory_space<hbm>> -> memref<64x128xf32, #tpu.memory_space<hbm>>
        %dma_wait3A_329 = arith.constant 0 : i32
        %dma_wait3A_330 = tpu.memref_slice %arg9[%mul3A_326, %dma_wait3A_329] : memref<16384x128xf32, #tpu.memory_space<hbm>> -> memref<64x128xf32, #tpu.memory_space<hbm>>
        tpu.wait_dma2 semaphore(%arg36 : memref<!tpu.dma_semaphore, #tpu.memory_space<semaphore_mem>>) src(%arg26 : memref<64x128xf32, #tpu.memory_space<vmem>>) dst(%dma_wait3A_330 : memref<64x128xf32, #tpu.memory_space<hbm>>)
      } else {
      }
      %scan3A_191 = arith.constant 0 : i32
      %scan3A_192 = arith.constant 0 : i32
      %scan3A_193 = arith.constant 64 : i32
      %scan3A_194 = arith.addi %scan3A_192, %scan3A_193 : i32
      %scan3A_195 = arith.constant 1 : i32
      %scan3A_196 = scf.for %scan3A_321 = %scan3A_192 to %scan3A_194 step %scan3A_195 iter_args(%scan3A_322 = %scan3A_191) -> (i32)  : i32 {
        %jit3A = arith.constant 4 : i32
        %div3A = arith.divsi %scan3A_321, %jit3A : i32
        %sign3A = arith.constant 0 : i32
        %sign3A_323 = arith.cmpi sgt, %scan3A_321, %sign3A : i32
        %sign3A_324 = arith.extui %sign3A_323 : i1 to i32
        %sign3A_325 = arith.constant 0 : i32
        %sign3A_326 = arith.cmpi slt, %scan3A_321, %sign3A_325 : i32
        %sign3A_327 = arith.extui %sign3A_326 : i1 to i32
        %sign3A_328 = arith.subi %sign3A_324, %sign3A_327 : i32
        %sign3A_329 = arith.constant 0 : i32
        %sign3A_330 = arith.cmpi sgt, %jit3A, %sign3A_329 : i32
        %sign3A_331 = arith.extui %sign3A_330 : i1 to i32
        %sign3A_332 = arith.constant 0 : i32
        %sign3A_333 = arith.cmpi slt, %jit3A, %sign3A_332 : i32
        %sign3A_334 = arith.extui %sign3A_333 : i1 to i32
        %sign3A_335 = arith.subi %sign3A_331, %sign3A_334 : i32
        %ne3A = arith.cmpi ne, %sign3A_328, %sign3A_335 : i32
        %rem3A = arith.remsi %scan3A_321, %jit3A : i32
        %ne3A_336 = arith.constant 0 : i32
        %ne3A_337 = arith.cmpi ne, %rem3A, %ne3A_336 : i32
        %and3A = arith.andi %ne3A, %ne3A_337 : i1
        %sub3A = arith.constant 1 : i32
        %sub3A_338 = arith.subi %div3A, %sub3A : i32
        %select_n3A = arith.select %and3A, %sub3A_338, %div3A : i32
        %jit3A_339 = arith.constant 4 : i32
        %eq3A = arith.constant 0 : i32
        %eq3A_340 = arith.cmpi eq, %jit3A_339, %eq3A : i32
        %jit3A_341 = arith.constant 1 : i32
        %select_n3A_342 = arith.select %eq3A_340, %jit3A_341, %jit3A_339 : i32
        %rem3A_343 = arith.remsi %scan3A_321, %select_n3A_342 : i32
        %ne3A_344 = arith.constant 0 : i32
        %ne3A_345 = arith.cmpi ne, %rem3A_343, %ne3A_344 : i32
        %lt3A_346 = arith.constant 0 : i32
        %lt3A_347 = arith.cmpi slt, %rem3A_343, %lt3A_346 : i32
        %lt3A_348 = arith.constant 0 : i32
        %lt3A_349 = arith.cmpi slt, %select_n3A_342, %lt3A_348 : i32
        %ne3A_350 = arith.xori %lt3A_347, %lt3A_349 : i1
        %and3A_351 = arith.andi %ne3A_350, %ne3A_345 : i1
        %add3A_352 = arith.addi %rem3A_343, %select_n3A_342 : i32
        %select_n3A_353 = arith.select %and3A_351, %add3A_352, %rem3A_343 : i32
        %get3A = arith.index_cast %select_n3A : i32 to index
        %get3A_354 = arith.index_cast %select_n3A_353 : i32 to index
        %get3A_355 = arith.constant 0 : index
        %get3A_356 = tpu.vector_load %arg14[%get3A, %get3A_354, %get3A_355] {strides = array<i32>} : memref<16x4x128xf32, #tpu.memory_space<vmem>>, vector<16xf32>,
        %get3A_357 = arith.index_cast %select_n3A : i32 to index
        %get3A_358 = arith.index_cast %select_n3A_353 : i32 to index
        %get3A_359 = arith.constant 0 : index
        %get3A_360 = tpu.vector_load %arg18[%get3A_357, %get3A_358, %get3A_359] {strides = array<i32>} : memref<16x4x128xf32, #tpu.memory_space<vmem>>, vector<16xf32>,
        %exp3A = math.exp %get3A_360 : vector<16xf32>
        %get3A_361 = arith.index_cast %scan3A_321 : i32 to index
        %get3A_362 = arith.constant 0 : index
        %get3A_363 = tpu.vector_load %arg22[%get3A_361, %get3A_362] {strides = array<i32>} : memref<64x128xf32, #tpu.memory_space<vmem>>, vector<16xf32>,
        %mul3A_364 = arith.mulf %exp3A, %get3A_363 : vector<16xf32>
        %add3A_365 = arith.addf %get3A_356, %mul3A_364 : vector<16xf32>
        %swap3A = arith.index_cast %scan3A_321 : i32 to index
        %swap3A_366 = arith.constant 0 : index
        %swap3A_367 = tpu.vector_load %arg26[%swap3A, %swap3A_366] {strides = array<i32>} : memref<64x128xf32, #tpu.memory_space<vmem>>, vector<16xf32>,
        tpu.vector_store %arg26[%swap3A, %swap3A_366], %add3A_365 {strides = array<i32>} : memref<64x128xf32, #tpu.memory_space<vmem>>, vector<16xf32>,
        %get3A_368 = arith.index_cast %select_n3A : i32 to index
        %get3A_369 = arith.index_cast %select_n3A_353 : i32 to index
        %get3A_370 = arith.constant 16 : index
        %get3A_371 = tpu.vector_load %arg14[%get3A_368, %get3A_369, %get3A_370] {strides = array<i32>} : memref<16x4x128xf32, #tpu.memory_space<vmem>>, vector<16xf32>,
        %get3A_372 = arith.index_cast %select_n3A : i32 to index
        %get3A_373 = arith.index_cast %select_n3A_353 : i32 to index
        %get3A_374 = arith.constant 16 : index
        %get3A_375 = tpu.vector_load %arg18[%get3A_372, %get3A_373, %get3A_374] {strides = array<i32>} : memref<16x4x128xf32, #tpu.memory_space<vmem>>, vector<16xf32>,
        %exp3A_376 = math.exp %get3A_375 : vector<16xf32>
        %get3A_377 = arith.index_cast %scan3A_321 : i32 to index
        %get3A_378 = arith.constant 16 : index
        %get3A_379 = tpu.vector_load %arg22[%get3A_377, %get3A_378] {strides = array<i32>} : memref<64x128xf32, #tpu.memory_space<vmem>>, vector<16xf32>,
        %mul3A_380 = arith.mulf %exp3A_376, %get3A_379 : vector<16xf32>
        %add3A_381 = arith.addf %get3A_371, %mul3A_380 : vector<16xf32>
        %swap3A_382 = arith.index_cast %scan3A_321 : i32 to index
        %swap3A_383 = arith.constant 16 : index
        %swap3A_384 = tpu.vector_load %arg26[%swap3A_382, %swap3A_383] {strides = array<i32>} : memref<64x128xf32, #tpu.memory_space<vmem>>, vector<16xf32>,
        tpu.vector_store %arg26[%swap3A_382, %swap3A_383], %add3A_381 {strides = array<i32>} : memref<64x128xf32, #tpu.memory_space<vmem>>, vector<16xf32>,
        %get3A_385 = arith.index_cast %select_n3A : i32 to index
        %get3A_386 = arith.index_cast %select_n3A_353 : i32 to index
        %get3A_387 = arith.constant 32 : index
        %get3A_388 = tpu.vector_load %arg14[%get3A_385, %get3A_386, %get3A_387] {strides = array<i32>} : memref<16x4x128xf32, #tpu.memory_space<vmem>>, vector<16xf32>,
        %get3A_389 = arith.index_cast %select_n3A : i32 to index
        %get3A_390 = arith.index_cast %select_n3A_353 : i32 to index
        %get3A_391 = arith.constant 32 : index
        %get3A_392 = tpu.vector_load %arg18[%get3A_389, %get3A_390, %get3A_391] {strides = array<i32>} : memref<16x4x128xf32, #tpu.memory_space<vmem>>, vector<16xf32>,
        %exp3A_393 = math.exp %get3A_392 : vector<16xf32>
        %get3A_394 = arith.index_cast %scan3A_321 : i32 to index
        %get3A_395 = arith.constant 32 : index
        %get3A_396 = tpu.vector_load %arg22[%get3A_394, %get3A_395] {strides = array<i32>} : memref<64x128xf32, #tpu.memory_space<vmem>>, vector<16xf32>,
        %mul3A_397 = arith.mulf %exp3A_393, %get3A_396 : vector<16xf32>
        %add3A_398 = arith.addf %get3A_388, %mul3A_397 : vector<16xf32>
        %swap3A_399 = arith.index_cast %scan3A_321 : i32 to index
        %swap3A_400 = arith.constant 32 : index
        %swap3A_401 = tpu.vector_load %arg26[%swap3A_399, %swap3A_400] {strides = array<i32>} : memref<64x128xf32, #tpu.memory_space<vmem>>, vector<16xf32>,
        tpu.vector_store %arg26[%swap3A_399, %swap3A_400], %add3A_398 {strides = array<i32>} : memref<64x128xf32, #tpu.memory_space<vmem>>, vector<16xf32>,
        %get3A_402 = arith.index_cast %select_n3A : i32 to index
        %get3A_403 = arith.index_cast %select_n3A_353 : i32 to index
        %get3A_404 = arith.constant 48 : index
        %get3A_405 = tpu.vector_load %arg14[%get3A_402, %get3A_403, %get3A_404] {strides = array<i32>} : memref<16x4x128xf32, #tpu.memory_space<vmem>>, vector<16xf32>,
        %get3A_406 = arith.index_cast %select_n3A : i32 to index
        %get3A_407 = arith.index_cast %select_n3A_353 : i32 to index
        %get3A_408 = arith.constant 48 : index
        %get3A_409 = tpu.vector_load %arg18[%get3A_406, %get3A_407, %get3A_408] {strides = array<i32>} : memref<16x4x128xf32, #tpu.memory_space<vmem>>, vector<16xf32>,
        %exp3A_410 = math.exp %get3A_409 : vector<16xf32>
        %get3A_411 = arith.index_cast %scan3A_321 : i32 to index
        %get3A_412 = arith.constant 48 : index
        %get3A_413 = tpu.vector_load %arg22[%get3A_411, %get3A_412] {strides = array<i32>} : memref<64x128xf32, #tpu.memory_space<vmem>>, vector<16xf32>,
        %mul3A_414 = arith.mulf %exp3A_410, %get3A_413 : vector<16xf32>
        %add3A_415 = arith.addf %get3A_405, %mul3A_414 : vector<16xf32>
        %swap3A_416 = arith.index_cast %scan3A_321 : i32 to index
        %swap3A_417 = arith.constant 48 : index
        %swap3A_418 = tpu.vector_load %arg26[%swap3A_416, %swap3A_417] {strides = array<i32>} : memref<64x128xf32, #tpu.memory_space<vmem>>, vector<16xf32>,
        tpu.vector_store %arg26[%swap3A_416, %swap3A_417], %add3A_415 {strides = array<i32>} : memref<64x128xf32, #tpu.memory_space<vmem>>, vector<16xf32>,
        %get3A_419 = arith.index_cast %select_n3A : i32 to index
        %get3A_420 = arith.index_cast %select_n3A_353 : i32 to index
        %get3A_421 = arith.constant 64 : index
        %get3A_422 = tpu.vector_load %arg14[%get3A_419, %get3A_420, %get3A_421] {strides = array<i32>} : memref<16x4x128xf32, #tpu.memory_space<vmem>>, vector<16xf32>,
        %get3A_423 = arith.index_cast %select_n3A : i32 to index
        %get3A_424 = arith.index_cast %select_n3A_353 : i32 to index
        %get3A_425 = arith.constant 64 : index
        %get3A_426 = tpu.vector_load %arg18[%get3A_423, %get3A_424, %get3A_425] {strides = array<i32>} : memref<16x4x128xf32, #tpu.memory_space<vmem>>, vector<16xf32>,
        %exp3A_427 = math.exp %get3A_426 : vector<16xf32>
        %get3A_428 = arith.index_cast %scan3A_321 : i32 to index
        %get3A_429 = arith.constant 64 : index
        %get3A_430 = tpu.vector_load %arg22[%get3A_428, %get3A_429] {strides = array<i32>} : memref<64x128xf32, #tpu.memory_space<vmem>>, vector<16xf32>,
        %mul3A_431 = arith.mulf %exp3A_427, %get3A_430 : vector<16xf32>
        %add3A_432 = arith.addf %get3A_422, %mul3A_431 : vector<16xf32>
        %swap3A_433 = arith.index_cast %scan3A_321 : i32 to index
        %swap3A_434 = arith.constant 64 : index
        %swap3A_435 = tpu.vector_load %arg26[%swap3A_433, %swap3A_434] {strides = array<i32>} : memref<64x128xf32, #tpu.memory_space<vmem>>, vector<16xf32>,
        tpu.vector_store %arg26[%swap3A_433, %swap3A_434], %add3A_432 {strides = array<i32>} : memref<64x128xf32, #tpu.memory_space<vmem>>, vector<16xf32>,
        %get3A_436 = arith.index_cast %select_n3A : i32 to index
        %get3A_437 = arith.index_cast %select_n3A_353 : i32 to index
        %get3A_438 = arith.constant 80 : index
        %get3A_439 = tpu.vector_load %arg14[%get3A_436, %get3A_437, %get3A_438] {strides = array<i32>} : memref<16x4x128xf32, #tpu.memory_space<vmem>>, vector<16xf32>,
        %get3A_440 = arith.index_cast %select_n3A : i32 to index
        %get3A_441 = arith.index_cast %select_n3A_353 : i32 to index
        %get3A_442 = arith.constant 80 : index
        %get3A_443 = tpu.vector_load %arg18[%get3A_440, %get3A_441, %get3A_442] {strides = array<i32>} : memref<16x4x128xf32, #tpu.memory_space<vmem>>, vector<16xf32>,
        %exp3A_444 = math.exp %get3A_443 : vector<16xf32>
        %get3A_445 = arith.index_cast %scan3A_321 : i32 to index
        %get3A_446 = arith.constant 80 : index
        %get3A_447 = tpu.vector_load %arg22[%get3A_445, %get3A_446] {strides = array<i32>} : memref<64x128xf32, #tpu.memory_space<vmem>>, vector<16xf32>,
        %mul3A_448 = arith.mulf %exp3A_444, %get3A_447 : vector<16xf32>
        %add3A_449 = arith.addf %get3A_439, %mul3A_448 : vector<16xf32>
        %swap3A_450 = arith.index_cast %scan3A_321 : i32 to index
        %swap3A_451 = arith.constant 80 : index
        %swap3A_452 = tpu.vector_load %arg26[%swap3A_450, %swap3A_451] {strides = array<i32>} : memref<64x128xf32, #tpu.memory_space<vmem>>, vector<16xf32>,
        tpu.vector_store %arg26[%swap3A_450, %swap3A_451], %add3A_449 {strides = array<i32>} : memref<64x128xf32, #tpu.memory_space<vmem>>, vector<16xf32>,
        %get3A_453 = arith.index_cast %select_n3A : i32 to index
        %get3A_454 = arith.index_cast %select_n3A_353 : i32 to index
        %get3A_455 = arith.constant 96 : index
        %get3A_456 = tpu.vector_load %arg14[%get3A_453, %get3A_454, %get3A_455] {strides = array<i32>} : memref<16x4x128xf32, #tpu.memory_space<vmem>>, vector<16xf32>,
        %get3A_457 = arith.index_cast %select_n3A : i32 to index
        %get3A_458 = arith.index_cast %select_n3A_353 : i32 to index
        %get3A_459 = arith.constant 96 : index
        %get3A_460 = tpu.vector_load %arg18[%get3A_457, %get3A_458, %get3A_459] {strides = array<i32>} : memref<16x4x128xf32, #tpu.memory_space<vmem>>, vector<16xf32>,
        %exp3A_461 = math.exp %get3A_460 : vector<16xf32>
        %get3A_462 = arith.index_cast %scan3A_321 : i32 to index
        %get3A_463 = arith.constant 96 : index
        %get3A_464 = tpu.vector_load %arg22[%get3A_462, %get3A_463] {strides = array<i32>} : memref<64x128xf32, #tpu.memory_space<vmem>>, vector<16xf32>,
        %mul3A_465 = arith.mulf %exp3A_461, %get3A_464 : vector<16xf32>
        %add3A_466 = arith.addf %get3A_456, %mul3A_465 : vector<16xf32>
        %swap3A_467 = arith.index_cast %scan3A_321 : i32 to index
        %swap3A_468 = arith.constant 96 : index
        %swap3A_469 = tpu.vector_load %arg26[%swap3A_467, %swap3A_468] {strides = array<i32>} : memref<64x128xf32, #tpu.memory_space<vmem>>, vector<16xf32>,
        tpu.vector_store %arg26[%swap3A_467, %swap3A_468], %add3A_466 {strides = array<i32>} : memref<64x128xf32, #tpu.memory_space<vmem>>, vector<16xf32>,
        %get3A_470 = arith.index_cast %select_n3A : i32 to index
        %get3A_471 = arith.index_cast %select_n3A_353 : i32 to index
        %get3A_472 = arith.constant 112 : index
        %get3A_473 = tpu.vector_load %arg14[%get3A_470, %get3A_471, %get3A_472] {strides = array<i32>} : memref<16x4x128xf32, #tpu.memory_space<vmem>>, vector<16xf32>,
        %get3A_474 = arith.index_cast %select_n3A : i32 to index
        %get3A_475 = arith.index_cast %select_n3A_353 : i32 to index
        %get3A_476 = arith.constant 112 : index
        %get3A_477 = tpu.vector_load %arg18[%get3A_474, %get3A_475, %get3A_476] {strides = array<i32>} : memref<16x4x128xf32, #tpu.memory_space<vmem>>, vector<16xf32>,
        %exp3A_478 = math.exp %get3A_477 : vector<16xf32>
        %get3A_479 = arith.index_cast %scan3A_321 : i32 to index
        %get3A_480 = arith.constant 112 : index
        %get3A_481 = tpu.vector_load %arg22[%get3A_479, %get3A_480] {strides = array<i32>} : memref<64x128xf32, #tpu.memory_space<vmem>>, vector<16xf32>,
        %mul3A_482 = arith.mulf %exp3A_478, %get3A_481 : vector<16xf32>
        %add3A_483 = arith.addf %get3A_473, %mul3A_482 : vector<16xf32>
        %swap3A_484 = arith.index_cast %scan3A_321 : i32 to index
        %swap3A_485 = arith.constant 112 : index
        %swap3A_486 = tpu.vector_load %arg26[%swap3A_484, %swap3A_485] {strides = array<i32>} : memref<64x128xf32, #tpu.memory_space<vmem>>, vector<16xf32>,
        tpu.vector_store %arg26[%swap3A_484, %swap3A_485], %add3A_483 {strides = array<i32>} : memref<64x128xf32, #tpu.memory_space<vmem>>, vector<16xf32>,
        %scan3A_487 = arith.constant 0 : i32
        scf.yield %scan3A_487 : i32
      }
      %scan3A_197 = arith.constant 64 : i32
      %add3A_198 = arith.constant 4 : i32
      %add3A_199 = arith.addi %add3A_164, %add3A_198 : i32
      %lt3A_200 = arith.constant 8 : i32
      %lt3A_201 = arith.cmpi slt, %add3A_199, %lt3A_200 : i32
      %convert_element_type3A_202 = arith.extui %lt3A_201 : i1 to i32
      %cond3A_203 = arith.constant 0 : i32
      %cond3A_204 = arith.cmpi ne, %convert_element_type3A_202, %cond3A_203 : i32
      scf.if %cond3A_204 {
        %add3A_321 = arith.constant 4 : i32
        %add3A_322 = arith.addi %add3A_164, %add3A_321 : i32
        %mul3A_323 = arith.constant 16 : i32
        %mul3A_324 = arith.muli %add3A_322, %mul3A_323 : i32
        %mul3A_325 = arith.constant 16 : i32
        %mul3A_326 = arith.muli %add3A_322, %mul3A_325 : i32
        %add3A_327 = arith.addi %mul3A_2, %mul3A_326 : i32
        %mul3A_328 = arith.constant 4 : i32
        %mul3A_329 = arith.muli %add3A_327, %mul3A_328 : i32
        %dma_start3A_330 = tpu.memref_slice %arg12[%mul3A_324] : memref<128xi32, #tpu.memory_space<vmem>> -> memref<16xi32, #tpu.memory_space<vmem>>
        %dma_start3A_331 = arith.constant 0 : i32
        %dma_start3A_332 = arith.constant 0 : i32
        %dma_start3A_333 = arith.constant 0 : i32
        %dma_start3A_334 = tpu.memref_slice %arg2[%dma_start3A_331, %dma_start3A_332, %dma_start3A_333] : memref<1000x4x128xf32, #tpu.memory_space<hbm>> -> memref<1000x4x128xf32, #tpu.memory_space<hbm>>
        tpu.enqueue_indirect_dma source(%dma_start3A_334 : memref<1000x4x128xf32, #tpu.memory_space<hbm>>) target(%arg14 : memref<16x4x128xf32, #tpu.memory_space<vmem>>) offsets(%dma_start3A_330 : memref<16xi32, #tpu.memory_space<vmem>>) semaphore(%arg32 : memref<!tpu.dma_semaphore, #tpu.memory_space<semaphore_mem>>)
        %dma_start3A_335 = tpu.memref_slice %arg12[%mul3A_324] : memref<128xi32, #tpu.memory_space<vmem>> -> memref<16xi32, #tpu.memory_space<vmem>>
        %dma_start3A_336 = arith.constant 0 : i32
        %dma_start3A_337 = arith.constant 0 : i32
        %dma_start3A_338 = arith.constant 0 : i32
        %dma_start3A_339 = tpu.memref_slice %arg3[%dma_start3A_336, %dma_start3A_337, %dma_start3A_338] : memref<1000x4x128xf32, #tpu.memory_space<hbm>> -> memref<1000x4x128xf32, #tpu.memory_space<hbm>>
        tpu.enqueue_indirect_dma source(%dma_start3A_339 : memref<1000x4x128xf32, #tpu.memory_space<hbm>>) target(%arg18 : memref<16x4x128xf32, #tpu.memory_space<vmem>>) offsets(%dma_start3A_335 : memref<16xi32, #tpu.memory_space<vmem>>) semaphore(%arg32 : memref<!tpu.dma_semaphore, #tpu.memory_space<semaphore_mem>>)
        %dma_start3A_340 = arith.constant 0 : i32
        %dma_start3A_341 = tpu.memref_slice %arg4[%mul3A_329, %dma_start3A_340] : memref<16384x128xf32, #tpu.memory_space<hbm>> -> memref<64x128xf32, #tpu.memory_space<hbm>>
        %dma_start3A_342 = arith.constant 0 : i32
        %dma_start3A_343 = tpu.memref_slice %arg4[%mul3A_329, %dma_start3A_342] : memref<16384x128xf32, #tpu.memory_space<hbm>> -> memref<64x128xf32, #tpu.memory_space<hbm>>
        tpu.enqueue_dma source(%dma_start3A_343 : memref<64x128xf32, #tpu.memory_space<hbm>>) target(%arg22 : memref<64x128xf32, #tpu.memory_space<vmem>>) target_semaphore(%arg32 : memref<!tpu.dma_semaphore, #tpu.memory_space<semaphore_mem>>)
      } else {
      }
      %mul3A_205 = arith.constant 16 : i32
      %mul3A_206 = arith.muli %add3A_164, %mul3A_205 : i32
      %add3A_207 = arith.addi %mul3A_2, %mul3A_206 : i32
      %mul3A_208 = arith.constant 4 : i32
      %mul3A_209 = arith.muli %add3A_207, %mul3A_208 : i32
      %dma_start3A_210 = arith.constant 0 : i32
      %dma_start3A_211 = tpu.memref_slice %arg9[%mul3A_209, %dma_start3A_210] : memref<16384x128xf32, #tpu.memory_space<hbm>> -> memref<64x128xf32, #tpu.memory_space<hbm>>
      %dma_start3A_212 = arith.constant 0 : i32
      %dma_start3A_213 = tpu.memref_slice %arg9[%mul3A_209, %dma_start3A_212] : memref<16384x128xf32, #tpu.memory_space<hbm>> -> memref<64x128xf32, #tpu.memory_space<hbm>>
      tpu.enqueue_dma source(%arg26 : memref<64x128xf32, #tpu.memory_space<vmem>>) target(%dma_start3A_213 : memref<64x128xf32, #tpu.memory_space<hbm>>) target_semaphore(%arg36 : memref<!tpu.dma_semaphore, #tpu.memory_space<semaphore_mem>>)
      %mul3A_214 = arith.constant 4 : i32
      %mul3A_215 = arith.muli %scan3A_110, %mul3A_214 : i32
      %add3A_216 = arith.constant 2 : i32
      %add3A_217 = arith.addi %mul3A_215, %add3A_216 : i32
      %mul3A_218 = arith.constant 16 : i32
      %mul3A_219 = arith.muli %add3A_217, %mul3A_218 : i32
      %mul3A_220 = arith.constant 16 : i32
      %mul3A_221 = arith.muli %add3A_217, %mul3A_220 : i32
      %add3A_222 = arith.addi %mul3A_2, %mul3A_221 : i32
      %mul3A_223 = arith.constant 4 : i32
      %mul3A_224 = arith.muli %add3A_222, %mul3A_223 : i32
      %dma_wait3A_225 = tpu.memref_slice %arg12[%mul3A_219] : memref<128xi32, #tpu.memory_space<vmem>> -> memref<16xi32, #tpu.memory_space<vmem>>
      %dma_wait3A_226 = arith.constant 0 : i32
      %dma_wait3A_227 = arith.constant 0 : i32
      %dma_wait3A_228 = arith.constant 0 : i32
      %dma_wait3A_229 = tpu.memref_slice %arg2[%dma_wait3A_226, %dma_wait3A_227, %dma_wait3A_228] : memref<1000x4x128xf32, #tpu.memory_space<hbm>> -> memref<1000x4x128xf32, #tpu.memory_space<hbm>>
      tpu.wait_indirect_dma semaphore(%arg33 : memref<!tpu.dma_semaphore, #tpu.memory_space<semaphore_mem>>) src(%dma_wait3A_229 : memref<1000x4x128xf32, #tpu.memory_space<hbm>>) dst(%arg15 : memref<16x4x128xf32, #tpu.memory_space<vmem>>)
      %dma_wait3A_230 = tpu.memref_slice %arg12[%mul3A_219] : memref<128xi32, #tpu.memory_space<vmem>> -> memref<16xi32, #tpu.memory_space<vmem>>
      %dma_wait3A_231 = arith.constant 0 : i32
      %dma_wait3A_232 = arith.constant 0 : i32
      %dma_wait3A_233 = arith.constant 0 : i32
      %dma_wait3A_234 = tpu.memref_slice %arg3[%dma_wait3A_231, %dma_wait3A_232, %dma_wait3A_233] : memref<1000x4x128xf32, #tpu.memory_space<hbm>> -> memref<1000x4x128xf32, #tpu.memory_space<hbm>>
      tpu.wait_indirect_dma semaphore(%arg33 : memref<!tpu.dma_semaphore, #tpu.memory_space<semaphore_mem>>) src(%dma_wait3A_234 : memref<1000x4x128xf32, #tpu.memory_space<hbm>>) dst(%arg19 : memref<16x4x128xf32, #tpu.memory_space<vmem>>)
      %dma_wait3A_235 = arith.constant 0 : i32
      %dma_wait3A_236 = tpu.memref_slice %arg4[%mul3A_224, %dma_wait3A_235] : memref<16384x128xf32, #tpu.memory_space<hbm>> -> memref<64x128xf32, #tpu.memory_space<hbm>>
      %dma_wait3A_237 = arith.constant 0 : i32
      %dma_wait3A_238 = tpu.memref_slice %arg4[%mul3A_224, %dma_wait3A_237] : memref<16384x128xf32, #tpu.memory_space<hbm>> -> memref<64x128xf32, #tpu.memory_space<hbm>>
      tpu.wait_dma2 semaphore(%arg33 : memref<!tpu.dma_semaphore, #tpu.memory_space<semaphore_mem>>) src(%dma_wait3A_238 : memref<64x128xf32, #tpu.memory_space<hbm>>) dst(%arg23 : memref<64x128xf32, #tpu.memory_space<vmem>>)
      %ge3A_239 = arith.constant 2 : i32
      %ge3A_240 = arith.cmpi sge, %add3A_217, %ge3A_239 : i32
      %convert_element_type3A_241 = arith.extui %ge3A_240 : i1 to i32
      %cond3A_242 = arith.constant 0 : i32
      %cond3A_243 = arith.cmpi ne, %convert_element_type3A_241, %cond3A_242 : i32
      scf.if %cond3A_243 {
        %sub3A = arith.constant 2 : i32
        %sub3A_321 = arith.subi %add3A_217, %sub3A : i32
        %mul3A_322 = arith.constant 16 : i32
        %mul3A_323 = arith.muli %sub3A_321, %mul3A_322 : i32
        %add3A_324 = arith.addi %mul3A_2, %mul3A_323 : i32
        %mul3A_325 = arith.constant 4 : i32
        %mul3A_326 = arith.muli %add3A_324, %mul3A_325 : i32
        %dma_wait3A_327 = arith.constant 0 : i32
        %dma_wait3A_328 = tpu.memref_slice %arg9[%mul3A_326, %dma_wait3A_327] : memref<16384x128xf32, #tpu.memory_space<hbm>> -> memref<64x128xf32, #tpu.memory_space<hbm>>
        %dma_wait3A_329 = arith.constant 0 : i32
        %dma_wait3A_330 = tpu.memref_slice %arg9[%mul3A_326, %dma_wait3A_329] : memref<16384x128xf32, #tpu.memory_space<hbm>> -> memref<64x128xf32, #tpu.memory_space<hbm>>
        tpu.wait_dma2 semaphore(%arg35 : memref<!tpu.dma_semaphore, #tpu.memory_space<semaphore_mem>>) src(%arg25 : memref<64x128xf32, #tpu.memory_space<vmem>>) dst(%dma_wait3A_330 : memref<64x128xf32, #tpu.memory_space<hbm>>)
      } else {
      }
      %scan3A_244 = arith.constant 0 : i32
      %scan3A_245 = arith.constant 0 : i32
      %scan3A_246 = arith.constant 64 : i32
      %scan3A_247 = arith.addi %scan3A_245, %scan3A_246 : i32
      %scan3A_248 = arith.constant 1 : i32
      %scan3A_249 = scf.for %scan3A_321 = %scan3A_245 to %scan3A_247 step %scan3A_248 iter_args(%scan3A_322 = %scan3A_244) -> (i32)  : i32 {
        %jit3A = arith.constant 4 : i32
        %div3A = arith.divsi %scan3A_321, %jit3A : i32
        %sign3A = arith.constant 0 : i32
        %sign3A_323 = arith.cmpi sgt, %scan3A_321, %sign3A : i32
        %sign3A_324 = arith.extui %sign3A_323 : i1 to i32
        %sign3A_325 = arith.constant 0 : i32
        %sign3A_326 = arith.cmpi slt, %scan3A_321, %sign3A_325 : i32
        %sign3A_327 = arith.extui %sign3A_326 : i1 to i32
        %sign3A_328 = arith.subi %sign3A_324, %sign3A_327 : i32
        %sign3A_329 = arith.constant 0 : i32
        %sign3A_330 = arith.cmpi sgt, %jit3A, %sign3A_329 : i32
        %sign3A_331 = arith.extui %sign3A_330 : i1 to i32
        %sign3A_332 = arith.constant 0 : i32
        %sign3A_333 = arith.cmpi slt, %jit3A, %sign3A_332 : i32
        %sign3A_334 = arith.extui %sign3A_333 : i1 to i32
        %sign3A_335 = arith.subi %sign3A_331, %sign3A_334 : i32
        %ne3A = arith.cmpi ne, %sign3A_328, %sign3A_335 : i32
        %rem3A = arith.remsi %scan3A_321, %jit3A : i32
        %ne3A_336 = arith.constant 0 : i32
        %ne3A_337 = arith.cmpi ne, %rem3A, %ne3A_336 : i32
        %and3A = arith.andi %ne3A, %ne3A_337 : i1
        %sub3A = arith.constant 1 : i32
        %sub3A_338 = arith.subi %div3A, %sub3A : i32
        %select_n3A = arith.select %and3A, %sub3A_338, %div3A : i32
        %jit3A_339 = arith.constant 4 : i32
        %eq3A = arith.constant 0 : i32
        %eq3A_340 = arith.cmpi eq, %jit3A_339, %eq3A : i32
        %jit3A_341 = arith.constant 1 : i32
        %select_n3A_342 = arith.select %eq3A_340, %jit3A_341, %jit3A_339 : i32
        %rem3A_343 = arith.remsi %scan3A_321, %select_n3A_342 : i32
        %ne3A_344 = arith.constant 0 : i32
        %ne3A_345 = arith.cmpi ne, %rem3A_343, %ne3A_344 : i32
        %lt3A_346 = arith.constant 0 : i32
        %lt3A_347 = arith.cmpi slt, %rem3A_343, %lt3A_346 : i32
        %lt3A_348 = arith.constant 0 : i32
        %lt3A_349 = arith.cmpi slt, %select_n3A_342, %lt3A_348 : i32
        %ne3A_350 = arith.xori %lt3A_347, %lt3A_349 : i1
        %and3A_351 = arith.andi %ne3A_350, %ne3A_345 : i1
        %add3A_352 = arith.addi %rem3A_343, %select_n3A_342 : i32
        %select_n3A_353 = arith.select %and3A_351, %add3A_352, %rem3A_343 : i32
        %get3A = arith.index_cast %select_n3A : i32 to index
        %get3A_354 = arith.index_cast %select_n3A_353 : i32 to index
        %get3A_355 = arith.constant 0 : index
        %get3A_356 = tpu.vector_load %arg15[%get3A, %get3A_354, %get3A_355] {strides = array<i32>} : memref<16x4x128xf32, #tpu.memory_space<vmem>>, vector<16xf32>,
        %get3A_357 = arith.index_cast %select_n3A : i32 to index
        %get3A_358 = arith.index_cast %select_n3A_353 : i32 to index
        %get3A_359 = arith.constant 0 : index
        %get3A_360 = tpu.vector_load %arg19[%get3A_357, %get3A_358, %get3A_359] {strides = array<i32>} : memref<16x4x128xf32, #tpu.memory_space<vmem>>, vector<16xf32>,
        %exp3A = math.exp %get3A_360 : vector<16xf32>
        %get3A_361 = arith.index_cast %scan3A_321 : i32 to index
        %get3A_362 = arith.constant 0 : index
        %get3A_363 = tpu.vector_load %arg23[%get3A_361, %get3A_362] {strides = array<i32>} : memref<64x128xf32, #tpu.memory_space<vmem>>, vector<16xf32>,
        %mul3A_364 = arith.mulf %exp3A, %get3A_363 : vector<16xf32>
        %add3A_365 = arith.addf %get3A_356, %mul3A_364 : vector<16xf32>
        %swap3A = arith.index_cast %scan3A_321 : i32 to index
        %swap3A_366 = arith.constant 0 : index
        %swap3A_367 = tpu.vector_load %arg25[%swap3A, %swap3A_366] {strides = array<i32>} : memref<64x128xf32, #tpu.memory_space<vmem>>, vector<16xf32>,
        tpu.vector_store %arg25[%swap3A, %swap3A_366], %add3A_365 {strides = array<i32>} : memref<64x128xf32, #tpu.memory_space<vmem>>, vector<16xf32>,
        %get3A_368 = arith.index_cast %select_n3A : i32 to index
        %get3A_369 = arith.index_cast %select_n3A_353 : i32 to index
        %get3A_370 = arith.constant 16 : index
        %get3A_371 = tpu.vector_load %arg15[%get3A_368, %get3A_369, %get3A_370] {strides = array<i32>} : memref<16x4x128xf32, #tpu.memory_space<vmem>>, vector<16xf32>,
        %get3A_372 = arith.index_cast %select_n3A : i32 to index
        %get3A_373 = arith.index_cast %select_n3A_353 : i32 to index
        %get3A_374 = arith.constant 16 : index
        %get3A_375 = tpu.vector_load %arg19[%get3A_372, %get3A_373, %get3A_374] {strides = array<i32>} : memref<16x4x128xf32, #tpu.memory_space<vmem>>, vector<16xf32>,
        %exp3A_376 = math.exp %get3A_375 : vector<16xf32>
        %get3A_377 = arith.index_cast %scan3A_321 : i32 to index
        %get3A_378 = arith.constant 16 : index
        %get3A_379 = tpu.vector_load %arg23[%get3A_377, %get3A_378] {strides = array<i32>} : memref<64x128xf32, #tpu.memory_space<vmem>>, vector<16xf32>,
        %mul3A_380 = arith.mulf %exp3A_376, %get3A_379 : vector<16xf32>
        %add3A_381 = arith.addf %get3A_371, %mul3A_380 : vector<16xf32>
        %swap3A_382 = arith.index_cast %scan3A_321 : i32 to index
        %swap3A_383 = arith.constant 16 : index
        %swap3A_384 = tpu.vector_load %arg25[%swap3A_382, %swap3A_383] {strides = array<i32>} : memref<64x128xf32, #tpu.memory_space<vmem>>, vector<16xf32>,
        tpu.vector_store %arg25[%swap3A_382, %swap3A_383], %add3A_381 {strides = array<i32>} : memref<64x128xf32, #tpu.memory_space<vmem>>, vector<16xf32>,
        %get3A_385 = arith.index_cast %select_n3A : i32 to index
        %get3A_386 = arith.index_cast %select_n3A_353 : i32 to index
        %get3A_387 = arith.constant 32 : index
        %get3A_388 = tpu.vector_load %arg15[%get3A_385, %get3A_386, %get3A_387] {strides = array<i32>} : memref<16x4x128xf32, #tpu.memory_space<vmem>>, vector<16xf32>,
        %get3A_389 = arith.index_cast %select_n3A : i32 to index
        %get3A_390 = arith.index_cast %select_n3A_353 : i32 to index
        %get3A_391 = arith.constant 32 : index
        %get3A_392 = tpu.vector_load %arg19[%get3A_389, %get3A_390, %get3A_391] {strides = array<i32>} : memref<16x4x128xf32, #tpu.memory_space<vmem>>, vector<16xf32>,
        %exp3A_393 = math.exp %get3A_392 : vector<16xf32>
        %get3A_394 = arith.index_cast %scan3A_321 : i32 to index
        %get3A_395 = arith.constant 32 : index
        %get3A_396 = tpu.vector_load %arg23[%get3A_394, %get3A_395] {strides = array<i32>} : memref<64x128xf32, #tpu.memory_space<vmem>>, vector<16xf32>,
        %mul3A_397 = arith.mulf %exp3A_393, %get3A_396 : vector<16xf32>
        %add3A_398 = arith.addf %get3A_388, %mul3A_397 : vector<16xf32>
        %swap3A_399 = arith.index_cast %scan3A_321 : i32 to index
        %swap3A_400 = arith.constant 32 : index
        %swap3A_401 = tpu.vector_load %arg25[%swap3A_399, %swap3A_400] {strides = array<i32>} : memref<64x128xf32, #tpu.memory_space<vmem>>, vector<16xf32>,
        tpu.vector_store %arg25[%swap3A_399, %swap3A_400], %add3A_398 {strides = array<i32>} : memref<64x128xf32, #tpu.memory_space<vmem>>, vector<16xf32>,
        %get3A_402 = arith.index_cast %select_n3A : i32 to index
        %get3A_403 = arith.index_cast %select_n3A_353 : i32 to index
        %get3A_404 = arith.constant 48 : index
        %get3A_405 = tpu.vector_load %arg15[%get3A_402, %get3A_403, %get3A_404] {strides = array<i32>} : memref<16x4x128xf32, #tpu.memory_space<vmem>>, vector<16xf32>,
        %get3A_406 = arith.index_cast %select_n3A : i32 to index
        %get3A_407 = arith.index_cast %select_n3A_353 : i32 to index
        %get3A_408 = arith.constant 48 : index
        %get3A_409 = tpu.vector_load %arg19[%get3A_406, %get3A_407, %get3A_408] {strides = array<i32>} : memref<16x4x128xf32, #tpu.memory_space<vmem>>, vector<16xf32>,
        %exp3A_410 = math.exp %get3A_409 : vector<16xf32>
        %get3A_411 = arith.index_cast %scan3A_321 : i32 to index
        %get3A_412 = arith.constant 48 : index
        %get3A_413 = tpu.vector_load %arg23[%get3A_411, %get3A_412] {strides = array<i32>} : memref<64x128xf32, #tpu.memory_space<vmem>>, vector<16xf32>,
        %mul3A_414 = arith.mulf %exp3A_410, %get3A_413 : vector<16xf32>
        %add3A_415 = arith.addf %get3A_405, %mul3A_414 : vector<16xf32>
        %swap3A_416 = arith.index_cast %scan3A_321 : i32 to index
        %swap3A_417 = arith.constant 48 : index
        %swap3A_418 = tpu.vector_load %arg25[%swap3A_416, %swap3A_417] {strides = array<i32>} : memref<64x128xf32, #tpu.memory_space<vmem>>, vector<16xf32>,
        tpu.vector_store %arg25[%swap3A_416, %swap3A_417], %add3A_415 {strides = array<i32>} : memref<64x128xf32, #tpu.memory_space<vmem>>, vector<16xf32>,
        %get3A_419 = arith.index_cast %select_n3A : i32 to index
        %get3A_420 = arith.index_cast %select_n3A_353 : i32 to index
        %get3A_421 = arith.constant 64 : index
        %get3A_422 = tpu.vector_load %arg15[%get3A_419, %get3A_420, %get3A_421] {strides = array<i32>} : memref<16x4x128xf32, #tpu.memory_space<vmem>>, vector<16xf32>,
        %get3A_423 = arith.index_cast %select_n3A : i32 to index
        %get3A_424 = arith.index_cast %select_n3A_353 : i32 to index
        %get3A_425 = arith.constant 64 : index
        %get3A_426 = tpu.vector_load %arg19[%get3A_423, %get3A_424, %get3A_425] {strides = array<i32>} : memref<16x4x128xf32, #tpu.memory_space<vmem>>, vector<16xf32>,
        %exp3A_427 = math.exp %get3A_426 : vector<16xf32>
        %get3A_428 = arith.index_cast %scan3A_321 : i32 to index
        %get3A_429 = arith.constant 64 : index
        %get3A_430 = tpu.vector_load %arg23[%get3A_428, %get3A_429] {strides = array<i32>} : memref<64x128xf32, #tpu.memory_space<vmem>>, vector<16xf32>,
        %mul3A_431 = arith.mulf %exp3A_427, %get3A_430 : vector<16xf32>
        %add3A_432 = arith.addf %get3A_422, %mul3A_431 : vector<16xf32>
        %swap3A_433 = arith.index_cast %scan3A_321 : i32 to index
        %swap3A_434 = arith.constant 64 : index
        %swap3A_435 = tpu.vector_load %arg25[%swap3A_433, %swap3A_434] {strides = array<i32>} : memref<64x128xf32, #tpu.memory_space<vmem>>, vector<16xf32>,
        tpu.vector_store %arg25[%swap3A_433, %swap3A_434], %add3A_432 {strides = array<i32>} : memref<64x128xf32, #tpu.memory_space<vmem>>, vector<16xf32>,
        %get3A_436 = arith.index_cast %select_n3A : i32 to index
        %get3A_437 = arith.index_cast %select_n3A_353 : i32 to index
        %get3A_438 = arith.constant 80 : index
        %get3A_439 = tpu.vector_load %arg15[%get3A_436, %get3A_437, %get3A_438] {strides = array<i32>} : memref<16x4x128xf32, #tpu.memory_space<vmem>>, vector<16xf32>,
        %get3A_440 = arith.index_cast %select_n3A : i32 to index
        %get3A_441 = arith.index_cast %select_n3A_353 : i32 to index
        %get3A_442 = arith.constant 80 : index
        %get3A_443 = tpu.vector_load %arg19[%get3A_440, %get3A_441, %get3A_442] {strides = array<i32>} : memref<16x4x128xf32, #tpu.memory_space<vmem>>, vector<16xf32>,
        %exp3A_444 = math.exp %get3A_443 : vector<16xf32>
        %get3A_445 = arith.index_cast %scan3A_321 : i32 to index
        %get3A_446 = arith.constant 80 : index
        %get3A_447 = tpu.vector_load %arg23[%get3A_445, %get3A_446] {strides = array<i32>} : memref<64x128xf32, #tpu.memory_space<vmem>>, vector<16xf32>,
        %mul3A_448 = arith.mulf %exp3A_444, %get3A_447 : vector<16xf32>
        %add3A_449 = arith.addf %get3A_439, %mul3A_448 : vector<16xf32>
        %swap3A_450 = arith.index_cast %scan3A_321 : i32 to index
        %swap3A_451 = arith.constant 80 : index
        %swap3A_452 = tpu.vector_load %arg25[%swap3A_450, %swap3A_451] {strides = array<i32>} : memref<64x128xf32, #tpu.memory_space<vmem>>, vector<16xf32>,
        tpu.vector_store %arg25[%swap3A_450, %swap3A_451], %add3A_449 {strides = array<i32>} : memref<64x128xf32, #tpu.memory_space<vmem>>, vector<16xf32>,
        %get3A_453 = arith.index_cast %select_n3A : i32 to index
        %get3A_454 = arith.index_cast %select_n3A_353 : i32 to index
        %get3A_455 = arith.constant 96 : index
        %get3A_456 = tpu.vector_load %arg15[%get3A_453, %get3A_454, %get3A_455] {strides = array<i32>} : memref<16x4x128xf32, #tpu.memory_space<vmem>>, vector<16xf32>,
        %get3A_457 = arith.index_cast %select_n3A : i32 to index
        %get3A_458 = arith.index_cast %select_n3A_353 : i32 to index
        %get3A_459 = arith.constant 96 : index
        %get3A_460 = tpu.vector_load %arg19[%get3A_457, %get3A_458, %get3A_459] {strides = array<i32>} : memref<16x4x128xf32, #tpu.memory_space<vmem>>, vector<16xf32>,
        %exp3A_461 = math.exp %get3A_460 : vector<16xf32>
        %get3A_462 = arith.index_cast %scan3A_321 : i32 to index
        %get3A_463 = arith.constant 96 : index
        %get3A_464 = tpu.vector_load %arg23[%get3A_462, %get3A_463] {strides = array<i32>} : memref<64x128xf32, #tpu.memory_space<vmem>>, vector<16xf32>,
        %mul3A_465 = arith.mulf %exp3A_461, %get3A_464 : vector<16xf32>
        %add3A_466 = arith.addf %get3A_456, %mul3A_465 : vector<16xf32>
        %swap3A_467 = arith.index_cast %scan3A_321 : i32 to index
        %swap3A_468 = arith.constant 96 : index
        %swap3A_469 = tpu.vector_load %arg25[%swap3A_467, %swap3A_468] {strides = array<i32>} : memref<64x128xf32, #tpu.memory_space<vmem>>, vector<16xf32>,
        tpu.vector_store %arg25[%swap3A_467, %swap3A_468], %add3A_466 {strides = array<i32>} : memref<64x128xf32, #tpu.memory_space<vmem>>, vector<16xf32>,
        %get3A_470 = arith.index_cast %select_n3A : i32 to index
        %get3A_471 = arith.index_cast %select_n3A_353 : i32 to index
        %get3A_472 = arith.constant 112 : index
        %get3A_473 = tpu.vector_load %arg15[%get3A_470, %get3A_471, %get3A_472] {strides = array<i32>} : memref<16x4x128xf32, #tpu.memory_space<vmem>>, vector<16xf32>,
        %get3A_474 = arith.index_cast %select_n3A : i32 to index
        %get3A_475 = arith.index_cast %select_n3A_353 : i32 to index
        %get3A_476 = arith.constant 112 : index
        %get3A_477 = tpu.vector_load %arg19[%get3A_474, %get3A_475, %get3A_476] {strides = array<i32>} : memref<16x4x128xf32, #tpu.memory_space<vmem>>, vector<16xf32>,
        %exp3A_478 = math.exp %get3A_477 : vector<16xf32>
        %get3A_479 = arith.index_cast %scan3A_321 : i32 to index
        %get3A_480 = arith.constant 112 : index
        %get3A_481 = tpu.vector_load %arg23[%get3A_479, %get3A_480] {strides = array<i32>} : memref<64x128xf32, #tpu.memory_space<vmem>>, vector<16xf32>,
        %mul3A_482 = arith.mulf %exp3A_478, %get3A_481 : vector<16xf32>
        %add3A_483 = arith.addf %get3A_473, %mul3A_482 : vector<16xf32>
        %swap3A_484 = arith.index_cast %scan3A_321 : i32 to index
        %swap3A_485 = arith.constant 112 : index
        %swap3A_486 = tpu.vector_load %arg25[%swap3A_484, %swap3A_485] {strides = array<i32>} : memref<64x128xf32, #tpu.memory_space<vmem>>, vector<16xf32>,
        tpu.vector_store %arg25[%swap3A_484, %swap3A_485], %add3A_483 {strides = array<i32>} : memref<64x128xf32, #tpu.memory_space<vmem>>, vector<16xf32>,
        %scan3A_487 = arith.constant 0 : i32
        scf.yield %scan3A_487 : i32
      }
      %scan3A_250 = arith.constant 64 : i32
      %add3A_251 = arith.constant 4 : i32
      %add3A_252 = arith.addi %add3A_217, %add3A_251 : i32
      %lt3A_253 = arith.constant 8 : i32
      %lt3A_254 = arith.cmpi slt, %add3A_252, %lt3A_253 : i32
      %convert_element_type3A_255 = arith.extui %lt3A_254 : i1 to i32
      %cond3A_256 = arith.constant 0 : i32
      %cond3A_257 = arith.cmpi ne, %convert_element_type3A_255, %cond3A_256 : i32
      scf.if %cond3A_257 {
        %add3A_321 = arith.constant 4 : i32
        %add3A_322 = arith.addi %add3A_217, %add3A_321 : i32
        %mul3A_323 = arith.constant 16 : i32
        %mul3A_324 = arith.muli %add3A_322, %mul3A_323 : i32
        %mul3A_325 = arith.constant 16 : i32
        %mul3A_326 = arith.muli %add3A_322, %mul3A_325 : i32
        %add3A_327 = arith.addi %mul3A_2, %mul3A_326 : i32
        %mul3A_328 = arith.constant 4 : i32
        %mul3A_329 = arith.muli %add3A_327, %mul3A_328 : i32
        %dma_start3A_330 = tpu.memref_slice %arg12[%mul3A_324] : memref<128xi32, #tpu.memory_space<vmem>> -> memref<16xi32, #tpu.memory_space<vmem>>
        %dma_start3A_331 = arith.constant 0 : i32
        %dma_start3A_332 = arith.constant 0 : i32
        %dma_start3A_333 = arith.constant 0 : i32
        %dma_start3A_334 = tpu.memref_slice %arg2[%dma_start3A_331, %dma_start3A_332, %dma_start3A_333] : memref<1000x4x128xf32, #tpu.memory_space<hbm>> -> memref<1000x4x128xf32, #tpu.memory_space<hbm>>
        tpu.enqueue_indirect_dma source(%dma_start3A_334 : memref<1000x4x128xf32, #tpu.memory_space<hbm>>) target(%arg15 : memref<16x4x128xf32, #tpu.memory_space<vmem>>) offsets(%dma_start3A_330 : memref<16xi32, #tpu.memory_space<vmem>>) semaphore(%arg33 : memref<!tpu.dma_semaphore, #tpu.memory_space<semaphore_mem>>)
        %dma_start3A_335 = tpu.memref_slice %arg12[%mul3A_324] : memref<128xi32, #tpu.memory_space<vmem>> -> memref<16xi32, #tpu.memory_space<vmem>>
        %dma_start3A_336 = arith.constant 0 : i32
        %dma_start3A_337 = arith.constant 0 : i32
        %dma_start3A_338 = arith.constant 0 : i32
        %dma_start3A_339 = tpu.memref_slice %arg3[%dma_start3A_336, %dma_start3A_337, %dma_start3A_338] : memref<1000x4x128xf32, #tpu.memory_space<hbm>> -> memref<1000x4x128xf32, #tpu.memory_space<hbm>>
        tpu.enqueue_indirect_dma source(%dma_start3A_339 : memref<1000x4x128xf32, #tpu.memory_space<hbm>>) target(%arg19 : memref<16x4x128xf32, #tpu.memory_space<vmem>>) offsets(%dma_start3A_335 : memref<16xi32, #tpu.memory_space<vmem>>) semaphore(%arg33 : memref<!tpu.dma_semaphore, #tpu.memory_space<semaphore_mem>>)
        %dma_start3A_340 = arith.constant 0 : i32
        %dma_start3A_341 = tpu.memref_slice %arg4[%mul3A_329, %dma_start3A_340] : memref<16384x128xf32, #tpu.memory_space<hbm>> -> memref<64x128xf32, #tpu.memory_space<hbm>>
        %dma_start3A_342 = arith.constant 0 : i32
        %dma_start3A_343 = tpu.memref_slice %arg4[%mul3A_329, %dma_start3A_342] : memref<16384x128xf32, #tpu.memory_space<hbm>> -> memref<64x128xf32, #tpu.memory_space<hbm>>
        tpu.enqueue_dma source(%dma_start3A_343 : memref<64x128xf32, #tpu.memory_space<hbm>>) target(%arg23 : memref<64x128xf32, #tpu.memory_space<vmem>>) target_semaphore(%arg33 : memref<!tpu.dma_semaphore, #tpu.memory_space<semaphore_mem>>)
      } else {
      }
      %mul3A_258 = arith.constant 16 : i32
      %mul3A_259 = arith.muli %add3A_217, %mul3A_258 : i32
      %add3A_260 = arith.addi %mul3A_2, %mul3A_259 : i32
      %mul3A_261 = arith.constant 4 : i32
      %mul3A_262 = arith.muli %add3A_260, %mul3A_261 : i32
      %dma_start3A_263 = arith.constant 0 : i32
      %dma_start3A_264 = tpu.memref_slice %arg9[%mul3A_262, %dma_start3A_263] : memref<16384x128xf32, #tpu.memory_space<hbm>> -> memref<64x128xf32, #tpu.memory_space<hbm>>
      %dma_start3A_265 = arith.constant 0 : i32
      %dma_start3A_266 = tpu.memref_slice %arg9[%mul3A_262, %dma_start3A_265] : memref<16384x128xf32, #tpu.memory_space<hbm>> -> memref<64x128xf32, #tpu.memory_space<hbm>>
      tpu.enqueue_dma source(%arg25 : memref<64x128xf32, #tpu.memory_space<vmem>>) target(%dma_start3A_266 : memref<64x128xf32, #tpu.memory_space<hbm>>) target_semaphore(%arg35 : memref<!tpu.dma_semaphore, #tpu.memory_space<semaphore_mem>>)
      %mul3A_267 = arith.constant 4 : i32
      %mul3A_268 = arith.muli %scan3A_110, %mul3A_267 : i32
      %add3A_269 = arith.constant 3 : i32
      %add3A_270 = arith.addi %mul3A_268, %add3A_269 : i32
      %mul3A_271 = arith.constant 16 : i32
      %mul3A_272 = arith.muli %add3A_270, %mul3A_271 : i32
      %mul3A_273 = arith.constant 16 : i32
      %mul3A_274 = arith.muli %add3A_270, %mul3A_273 : i32
      %add3A_275 = arith.addi %mul3A_2, %mul3A_274 : i32
      %mul3A_276 = arith.constant 4 : i32
      %mul3A_277 = arith.muli %add3A_275, %mul3A_276 : i32
      %dma_wait3A_278 = tpu.memref_slice %arg12[%mul3A_272] : memref<128xi32, #tpu.memory_space<vmem>> -> memref<16xi32, #tpu.memory_space<vmem>>
      %dma_wait3A_279 = arith.constant 0 : i32
      %dma_wait3A_280 = arith.constant 0 : i32
      %dma_wait3A_281 = arith.constant 0 : i32
      %dma_wait3A_282 = tpu.memref_slice %arg2[%dma_wait3A_279, %dma_wait3A_280, %dma_wait3A_281] : memref<1000x4x128xf32, #tpu.memory_space<hbm>> -> memref<1000x4x128xf32, #tpu.memory_space<hbm>>
      tpu.wait_indirect_dma semaphore(%arg34 : memref<!tpu.dma_semaphore, #tpu.memory_space<semaphore_mem>>) src(%dma_wait3A_282 : memref<1000x4x128xf32, #tpu.memory_space<hbm>>) dst(%arg16 : memref<16x4x128xf32, #tpu.memory_space<vmem>>)
      %dma_wait3A_283 = tpu.memref_slice %arg12[%mul3A_272] : memref<128xi32, #tpu.memory_space<vmem>> -> memref<16xi32, #tpu.memory_space<vmem>>
      %dma_wait3A_284 = arith.constant 0 : i32
      %dma_wait3A_285 = arith.constant 0 : i32
      %dma_wait3A_286 = arith.constant 0 : i32
      %dma_wait3A_287 = tpu.memref_slice %arg3[%dma_wait3A_284, %dma_wait3A_285, %dma_wait3A_286] : memref<1000x4x128xf32, #tpu.memory_space<hbm>> -> memref<1000x4x128xf32, #tpu.memory_space<hbm>>
      tpu.wait_indirect_dma semaphore(%arg34 : memref<!tpu.dma_semaphore, #tpu.memory_space<semaphore_mem>>) src(%dma_wait3A_287 : memref<1000x4x128xf32, #tpu.memory_space<hbm>>) dst(%arg20 : memref<16x4x128xf32, #tpu.memory_space<vmem>>)
      %dma_wait3A_288 = arith.constant 0 : i32
      %dma_wait3A_289 = tpu.memref_slice %arg4[%mul3A_277, %dma_wait3A_288] : memref<16384x128xf32, #tpu.memory_space<hbm>> -> memref<64x128xf32, #tpu.memory_space<hbm>>
      %dma_wait3A_290 = arith.constant 0 : i32
      %dma_wait3A_291 = tpu.memref_slice %arg4[%mul3A_277, %dma_wait3A_290] : memref<16384x128xf32, #tpu.memory_space<hbm>> -> memref<64x128xf32, #tpu.memory_space<hbm>>
      tpu.wait_dma2 semaphore(%arg34 : memref<!tpu.dma_semaphore, #tpu.memory_space<semaphore_mem>>) src(%dma_wait3A_291 : memref<64x128xf32, #tpu.memory_space<hbm>>) dst(%arg24 : memref<64x128xf32, #tpu.memory_space<vmem>>)
      %ge3A_292 = arith.constant 2 : i32
      %ge3A_293 = arith.cmpi sge, %add3A_270, %ge3A_292 : i32
      %convert_element_type3A_294 = arith.extui %ge3A_293 : i1 to i32
      %cond3A_295 = arith.constant 0 : i32
      %cond3A_296 = arith.cmpi ne, %convert_element_type3A_294, %cond3A_295 : i32
      scf.if %cond3A_296 {
        %sub3A = arith.constant 2 : i32
        %sub3A_321 = arith.subi %add3A_270, %sub3A : i32
        %mul3A_322 = arith.constant 16 : i32
        %mul3A_323 = arith.muli %sub3A_321, %mul3A_322 : i32
        %add3A_324 = arith.addi %mul3A_2, %mul3A_323 : i32
        %mul3A_325 = arith.constant 4 : i32
        %mul3A_326 = arith.muli %add3A_324, %mul3A_325 : i32
        %dma_wait3A_327 = arith.constant 0 : i32
        %dma_wait3A_328 = tpu.memref_slice %arg9[%mul3A_326, %dma_wait3A_327] : memref<16384x128xf32, #tpu.memory_space<hbm>> -> memref<64x128xf32, #tpu.memory_space<hbm>>
        %dma_wait3A_329 = arith.constant 0 : i32
        %dma_wait3A_330 = tpu.memref_slice %arg9[%mul3A_326, %dma_wait3A_329] : memref<16384x128xf32, #tpu.memory_space<hbm>> -> memref<64x128xf32, #tpu.memory_space<hbm>>
        tpu.wait_dma2 semaphore(%arg36 : memref<!tpu.dma_semaphore, #tpu.memory_space<semaphore_mem>>) src(%arg26 : memref<64x128xf32, #tpu.memory_space<vmem>>) dst(%dma_wait3A_330 : memref<64x128xf32, #tpu.memory_space<hbm>>)
      } else {
      }
      %scan3A_297 = arith.constant 0 : i32
      %scan3A_298 = arith.constant 0 : i32
      %scan3A_299 = arith.constant 64 : i32
      %scan3A_300 = arith.addi %scan3A_298, %scan3A_299 : i32
      %scan3A_301 = arith.constant 1 : i32
      %scan3A_302 = scf.for %scan3A_321 = %scan3A_298 to %scan3A_300 step %scan3A_301 iter_args(%scan3A_322 = %scan3A_297) -> (i32)  : i32 {
        %jit3A = arith.constant 4 : i32
        %div3A = arith.divsi %scan3A_321, %jit3A : i32
        %sign3A = arith.constant 0 : i32
        %sign3A_323 = arith.cmpi sgt, %scan3A_321, %sign3A : i32
        %sign3A_324 = arith.extui %sign3A_323 : i1 to i32
        %sign3A_325 = arith.constant 0 : i32
        %sign3A_326 = arith.cmpi slt, %scan3A_321, %sign3A_325 : i32
        %sign3A_327 = arith.extui %sign3A_326 : i1 to i32
        %sign3A_328 = arith.subi %sign3A_324, %sign3A_327 : i32
        %sign3A_329 = arith.constant 0 : i32
        %sign3A_330 = arith.cmpi sgt, %jit3A, %sign3A_329 : i32
        %sign3A_331 = arith.extui %sign3A_330 : i1 to i32
        %sign3A_332 = arith.constant 0 : i32
        %sign3A_333 = arith.cmpi slt, %jit3A, %sign3A_332 : i32
        %sign3A_334 = arith.extui %sign3A_333 : i1 to i32
        %sign3A_335 = arith.subi %sign3A_331, %sign3A_334 : i32
        %ne3A = arith.cmpi ne, %sign3A_328, %sign3A_335 : i32
        %rem3A = arith.remsi %scan3A_321, %jit3A : i32
        %ne3A_336 = arith.constant 0 : i32
        %ne3A_337 = arith.cmpi ne, %rem3A, %ne3A_336 : i32
        %and3A = arith.andi %ne3A, %ne3A_337 : i1
        %sub3A = arith.constant 1 : i32
        %sub3A_338 = arith.subi %div3A, %sub3A : i32
        %select_n3A = arith.select %and3A, %sub3A_338, %div3A : i32
        %jit3A_339 = arith.constant 4 : i32
        %eq3A = arith.constant 0 : i32
        %eq3A_340 = arith.cmpi eq, %jit3A_339, %eq3A : i32
        %jit3A_341 = arith.constant 1 : i32
        %select_n3A_342 = arith.select %eq3A_340, %jit3A_341, %jit3A_339 : i32
        %rem3A_343 = arith.remsi %scan3A_321, %select_n3A_342 : i32
        %ne3A_344 = arith.constant 0 : i32
        %ne3A_345 = arith.cmpi ne, %rem3A_343, %ne3A_344 : i32
        %lt3A_346 = arith.constant 0 : i32
        %lt3A_347 = arith.cmpi slt, %rem3A_343, %lt3A_346 : i32
        %lt3A_348 = arith.constant 0 : i32
        %lt3A_349 = arith.cmpi slt, %select_n3A_342, %lt3A_348 : i32
        %ne3A_350 = arith.xori %lt3A_347, %lt3A_349 : i1
        %and3A_351 = arith.andi %ne3A_350, %ne3A_345 : i1
        %add3A_352 = arith.addi %rem3A_343, %select_n3A_342 : i32
        %select_n3A_353 = arith.select %and3A_351, %add3A_352, %rem3A_343 : i32
        %get3A = arith.index_cast %select_n3A : i32 to index
        %get3A_354 = arith.index_cast %select_n3A_353 : i32 to index
        %get3A_355 = arith.constant 0 : index
        %get3A_356 = tpu.vector_load %arg16[%get3A, %get3A_354, %get3A_355] {strides = array<i32>} : memref<16x4x128xf32, #tpu.memory_space<vmem>>, vector<16xf32>,
        %get3A_357 = arith.index_cast %select_n3A : i32 to index
        %get3A_358 = arith.index_cast %select_n3A_353 : i32 to index
        %get3A_359 = arith.constant 0 : index
        %get3A_360 = tpu.vector_load %arg20[%get3A_357, %get3A_358, %get3A_359] {strides = array<i32>} : memref<16x4x128xf32, #tpu.memory_space<vmem>>, vector<16xf32>,
        %exp3A = math.exp %get3A_360 : vector<16xf32>
        %get3A_361 = arith.index_cast %scan3A_321 : i32 to index
        %get3A_362 = arith.constant 0 : index
        %get3A_363 = tpu.vector_load %arg24[%get3A_361, %get3A_362] {strides = array<i32>} : memref<64x128xf32, #tpu.memory_space<vmem>>, vector<16xf32>,
        %mul3A_364 = arith.mulf %exp3A, %get3A_363 : vector<16xf32>
        %add3A_365 = arith.addf %get3A_356, %mul3A_364 : vector<16xf32>
        %swap3A = arith.index_cast %scan3A_321 : i32 to index
        %swap3A_366 = arith.constant 0 : index
        %swap3A_367 = tpu.vector_load %arg26[%swap3A, %swap3A_366] {strides = array<i32>} : memref<64x128xf32, #tpu.memory_space<vmem>>, vector<16xf32>,
        tpu.vector_store %arg26[%swap3A, %swap3A_366], %add3A_365 {strides = array<i32>} : memref<64x128xf32, #tpu.memory_space<vmem>>, vector<16xf32>,
        %get3A_368 = arith.index_cast %select_n3A : i32 to index
        %get3A_369 = arith.index_cast %select_n3A_353 : i32 to index
        %get3A_370 = arith.constant 16 : index
        %get3A_371 = tpu.vector_load %arg16[%get3A_368, %get3A_369, %get3A_370] {strides = array<i32>} : memref<16x4x128xf32, #tpu.memory_space<vmem>>, vector<16xf32>,
        %get3A_372 = arith.index_cast %select_n3A : i32 to index
        %get3A_373 = arith.index_cast %select_n3A_353 : i32 to index
        %get3A_374 = arith.constant 16 : index
        %get3A_375 = tpu.vector_load %arg20[%get3A_372, %get3A_373, %get3A_374] {strides = array<i32>} : memref<16x4x128xf32, #tpu.memory_space<vmem>>, vector<16xf32>,
        %exp3A_376 = math.exp %get3A_375 : vector<16xf32>
        %get3A_377 = arith.index_cast %scan3A_321 : i32 to index
        %get3A_378 = arith.constant 16 : index
        %get3A_379 = tpu.vector_load %arg24[%get3A_377, %get3A_378] {strides = array<i32>} : memref<64x128xf32, #tpu.memory_space<vmem>>, vector<16xf32>,
        %mul3A_380 = arith.mulf %exp3A_376, %get3A_379 : vector<16xf32>
        %add3A_381 = arith.addf %get3A_371, %mul3A_380 : vector<16xf32>
        %swap3A_382 = arith.index_cast %scan3A_321 : i32 to index
        %swap3A_383 = arith.constant 16 : index
        %swap3A_384 = tpu.vector_load %arg26[%swap3A_382, %swap3A_383] {strides = array<i32>} : memref<64x128xf32, #tpu.memory_space<vmem>>, vector<16xf32>,
        tpu.vector_store %arg26[%swap3A_382, %swap3A_383], %add3A_381 {strides = array<i32>} : memref<64x128xf32, #tpu.memory_space<vmem>>, vector<16xf32>,
        %get3A_385 = arith.index_cast %select_n3A : i32 to index
        %get3A_386 = arith.index_cast %select_n3A_353 : i32 to index
        %get3A_387 = arith.constant 32 : index
        %get3A_388 = tpu.vector_load %arg16[%get3A_385, %get3A_386, %get3A_387] {strides = array<i32>} : memref<16x4x128xf32, #tpu.memory_space<vmem>>, vector<16xf32>,
        %get3A_389 = arith.index_cast %select_n3A : i32 to index
        %get3A_390 = arith.index_cast %select_n3A_353 : i32 to index
        %get3A_391 = arith.constant 32 : index
        %get3A_392 = tpu.vector_load %arg20[%get3A_389, %get3A_390, %get3A_391] {strides = array<i32>} : memref<16x4x128xf32, #tpu.memory_space<vmem>>, vector<16xf32>,
        %exp3A_393 = math.exp %get3A_392 : vector<16xf32>
        %get3A_394 = arith.index_cast %scan3A_321 : i32 to index
        %get3A_395 = arith.constant 32 : index
        %get3A_396 = tpu.vector_load %arg24[%get3A_394, %get3A_395] {strides = array<i32>} : memref<64x128xf32, #tpu.memory_space<vmem>>, vector<16xf32>,
        %mul3A_397 = arith.mulf %exp3A_393, %get3A_396 : vector<16xf32>
        %add3A_398 = arith.addf %get3A_388, %mul3A_397 : vector<16xf32>
        %swap3A_399 = arith.index_cast %scan3A_321 : i32 to index
        %swap3A_400 = arith.constant 32 : index
        %swap3A_401 = tpu.vector_load %arg26[%swap3A_399, %swap3A_400] {strides = array<i32>} : memref<64x128xf32, #tpu.memory_space<vmem>>, vector<16xf32>,
        tpu.vector_store %arg26[%swap3A_399, %swap3A_400], %add3A_398 {strides = array<i32>} : memref<64x128xf32, #tpu.memory_space<vmem>>, vector<16xf32>,
        %get3A_402 = arith.index_cast %select_n3A : i32 to index
        %get3A_403 = arith.index_cast %select_n3A_353 : i32 to index
        %get3A_404 = arith.constant 48 : index
        %get3A_405 = tpu.vector_load %arg16[%get3A_402, %get3A_403, %get3A_404] {strides = array<i32>} : memref<16x4x128xf32, #tpu.memory_space<vmem>>, vector<16xf32>,
        %get3A_406 = arith.index_cast %select_n3A : i32 to index
        %get3A_407 = arith.index_cast %select_n3A_353 : i32 to index
        %get3A_408 = arith.constant 48 : index
        %get3A_409 = tpu.vector_load %arg20[%get3A_406, %get3A_407, %get3A_408] {strides = array<i32>} : memref<16x4x128xf32, #tpu.memory_space<vmem>>, vector<16xf32>,
        %exp3A_410 = math.exp %get3A_409 : vector<16xf32>
        %get3A_411 = arith.index_cast %scan3A_321 : i32 to index
        %get3A_412 = arith.constant 48 : index
        %get3A_413 = tpu.vector_load %arg24[%get3A_411, %get3A_412] {strides = array<i32>} : memref<64x128xf32, #tpu.memory_space<vmem>>, vector<16xf32>,
        %mul3A_414 = arith.mulf %exp3A_410, %get3A_413 : vector<16xf32>
        %add3A_415 = arith.addf %get3A_405, %mul3A_414 : vector<16xf32>
        %swap3A_416 = arith.index_cast %scan3A_321 : i32 to index
        %swap3A_417 = arith.constant 48 : index
        %swap3A_418 = tpu.vector_load %arg26[%swap3A_416, %swap3A_417] {strides = array<i32>} : memref<64x128xf32, #tpu.memory_space<vmem>>, vector<16xf32>,
        tpu.vector_store %arg26[%swap3A_416, %swap3A_417], %add3A_415 {strides = array<i32>} : memref<64x128xf32, #tpu.memory_space<vmem>>, vector<16xf32>,
        %get3A_419 = arith.index_cast %select_n3A : i32 to index
        %get3A_420 = arith.index_cast %select_n3A_353 : i32 to index
        %get3A_421 = arith.constant 64 : index
        %get3A_422 = tpu.vector_load %arg16[%get3A_419, %get3A_420, %get3A_421] {strides = array<i32>} : memref<16x4x128xf32, #tpu.memory_space<vmem>>, vector<16xf32>,
        %get3A_423 = arith.index_cast %select_n3A : i32 to index
        %get3A_424 = arith.index_cast %select_n3A_353 : i32 to index
        %get3A_425 = arith.constant 64 : index
        %get3A_426 = tpu.vector_load %arg20[%get3A_423, %get3A_424, %get3A_425] {strides = array<i32>} : memref<16x4x128xf32, #tpu.memory_space<vmem>>, vector<16xf32>,
        %exp3A_427 = math.exp %get3A_426 : vector<16xf32>
        %get3A_428 = arith.index_cast %scan3A_321 : i32 to index
        %get3A_429 = arith.constant 64 : index
        %get3A_430 = tpu.vector_load %arg24[%get3A_428, %get3A_429] {strides = array<i32>} : memref<64x128xf32, #tpu.memory_space<vmem>>, vector<16xf32>,
        %mul3A_431 = arith.mulf %exp3A_427, %get3A_430 : vector<16xf32>
        %add3A_432 = arith.addf %get3A_422, %mul3A_431 : vector<16xf32>
        %swap3A_433 = arith.index_cast %scan3A_321 : i32 to index
        %swap3A_434 = arith.constant 64 : index
        %swap3A_435 = tpu.vector_load %arg26[%swap3A_433, %swap3A_434] {strides = array<i32>} : memref<64x128xf32, #tpu.memory_space<vmem>>, vector<16xf32>,
        tpu.vector_store %arg26[%swap3A_433, %swap3A_434], %add3A_432 {strides = array<i32>} : memref<64x128xf32, #tpu.memory_space<vmem>>, vector<16xf32>,
        %get3A_436 = arith.index_cast %select_n3A : i32 to index
        %get3A_437 = arith.index_cast %select_n3A_353 : i32 to index
        %get3A_438 = arith.constant 80 : index
        %get3A_439 = tpu.vector_load %arg16[%get3A_436, %get3A_437, %get3A_438] {strides = array<i32>} : memref<16x4x128xf32, #tpu.memory_space<vmem>>, vector<16xf32>,
        %get3A_440 = arith.index_cast %select_n3A : i32 to index
        %get3A_441 = arith.index_cast %select_n3A_353 : i32 to index
        %get3A_442 = arith.constant 80 : index
        %get3A_443 = tpu.vector_load %arg20[%get3A_440, %get3A_441, %get3A_442] {strides = array<i32>} : memref<16x4x128xf32, #tpu.memory_space<vmem>>, vector<16xf32>,
        %exp3A_444 = math.exp %get3A_443 : vector<16xf32>
        %get3A_445 = arith.index_cast %scan3A_321 : i32 to index
        %get3A_446 = arith.constant 80 : index
        %get3A_447 = tpu.vector_load %arg24[%get3A_445, %get3A_446] {strides = array<i32>} : memref<64x128xf32, #tpu.memory_space<vmem>>, vector<16xf32>,
        %mul3A_448 = arith.mulf %exp3A_444, %get3A_447 : vector<16xf32>
        %add3A_449 = arith.addf %get3A_439, %mul3A_448 : vector<16xf32>
        %swap3A_450 = arith.index_cast %scan3A_321 : i32 to index
        %swap3A_451 = arith.constant 80 : index
        %swap3A_452 = tpu.vector_load %arg26[%swap3A_450, %swap3A_451] {strides = array<i32>} : memref<64x128xf32, #tpu.memory_space<vmem>>, vector<16xf32>,
        tpu.vector_store %arg26[%swap3A_450, %swap3A_451], %add3A_449 {strides = array<i32>} : memref<64x128xf32, #tpu.memory_space<vmem>>, vector<16xf32>,
        %get3A_453 = arith.index_cast %select_n3A : i32 to index
        %get3A_454 = arith.index_cast %select_n3A_353 : i32 to index
        %get3A_455 = arith.constant 96 : index
        %get3A_456 = tpu.vector_load %arg16[%get3A_453, %get3A_454, %get3A_455] {strides = array<i32>} : memref<16x4x128xf32, #tpu.memory_space<vmem>>, vector<16xf32>,
        %get3A_457 = arith.index_cast %select_n3A : i32 to index
        %get3A_458 = arith.index_cast %select_n3A_353 : i32 to index
        %get3A_459 = arith.constant 96 : index
        %get3A_460 = tpu.vector_load %arg20[%get3A_457, %get3A_458, %get3A_459] {strides = array<i32>} : memref<16x4x128xf32, #tpu.memory_space<vmem>>, vector<16xf32>,
        %exp3A_461 = math.exp %get3A_460 : vector<16xf32>
        %get3A_462 = arith.index_cast %scan3A_321 : i32 to index
        %get3A_463 = arith.constant 96 : index
        %get3A_464 = tpu.vector_load %arg24[%get3A_462, %get3A_463] {strides = array<i32>} : memref<64x128xf32, #tpu.memory_space<vmem>>, vector<16xf32>,
        %mul3A_465 = arith.mulf %exp3A_461, %get3A_464 : vector<16xf32>
        %add3A_466 = arith.addf %get3A_456, %mul3A_465 : vector<16xf32>
        %swap3A_467 = arith.index_cast %scan3A_321 : i32 to index
        %swap3A_468 = arith.constant 96 : index
        %swap3A_469 = tpu.vector_load %arg26[%swap3A_467, %swap3A_468] {strides = array<i32>} : memref<64x128xf32, #tpu.memory_space<vmem>>, vector<16xf32>,
        tpu.vector_store %arg26[%swap3A_467, %swap3A_468], %add3A_466 {strides = array<i32>} : memref<64x128xf32, #tpu.memory_space<vmem>>, vector<16xf32>,
        %get3A_470 = arith.index_cast %select_n3A : i32 to index
        %get3A_471 = arith.index_cast %select_n3A_353 : i32 to index
        %get3A_472 = arith.constant 112 : index
        %get3A_473 = tpu.vector_load %arg16[%get3A_470, %get3A_471, %get3A_472] {strides = array<i32>} : memref<16x4x128xf32, #tpu.memory_space<vmem>>, vector<16xf32>,
        %get3A_474 = arith.index_cast %select_n3A : i32 to index
        %get3A_475 = arith.index_cast %select_n3A_353 : i32 to index
        %get3A_476 = arith.constant 112 : index
        %get3A_477 = tpu.vector_load %arg20[%get3A_474, %get3A_475, %get3A_476] {strides = array<i32>} : memref<16x4x128xf32, #tpu.memory_space<vmem>>, vector<16xf32>,
        %exp3A_478 = math.exp %get3A_477 : vector<16xf32>
        %get3A_479 = arith.index_cast %scan3A_321 : i32 to index
        %get3A_480 = arith.constant 112 : index
        %get3A_481 = tpu.vector_load %arg24[%get3A_479, %get3A_480] {strides = array<i32>} : memref<64x128xf32, #tpu.memory_space<vmem>>, vector<16xf32>,
        %mul3A_482 = arith.mulf %exp3A_478, %get3A_481 : vector<16xf32>
        %add3A_483 = arith.addf %get3A_473, %mul3A_482 : vector<16xf32>
        %swap3A_484 = arith.index_cast %scan3A_321 : i32 to index
        %swap3A_485 = arith.constant 112 : index
        %swap3A_486 = tpu.vector_load %arg26[%swap3A_484, %swap3A_485] {strides = array<i32>} : memref<64x128xf32, #tpu.memory_space<vmem>>, vector<16xf32>,
        tpu.vector_store %arg26[%swap3A_484, %swap3A_485], %add3A_483 {strides = array<i32>} : memref<64x128xf32, #tpu.memory_space<vmem>>, vector<16xf32>,
        %scan3A_487 = arith.constant 0 : i32
        scf.yield %scan3A_487 : i32
      }
      %scan3A_303 = arith.constant 64 : i32
      %add3A_304 = arith.constant 4 : i32
      %add3A_305 = arith.addi %add3A_270, %add3A_304 : i32
      %lt3A_306 = arith.constant 8 : i32
      %lt3A_307 = arith.cmpi slt, %add3A_305, %lt3A_306 : i32
      %convert_element_type3A_308 = arith.extui %lt3A_307 : i1 to i32
      %cond3A_309 = arith.constant 0 : i32
      %cond3A_310 = arith.cmpi ne, %convert_element_type3A_308, %cond3A_309 : i32
      scf.if %cond3A_310 {
        %add3A_321 = arith.constant 4 : i32
        %add3A_322 = arith.addi %add3A_270, %add3A_321 : i32
        %mul3A_323 = arith.constant 16 : i32
        %mul3A_324 = arith.muli %add3A_322, %mul3A_323 : i32
        %mul3A_325 = arith.constant 16 : i32
        %mul3A_326 = arith.muli %add3A_322, %mul3A_325 : i32
        %add3A_327 = arith.addi %mul3A_2, %mul3A_326 : i32
        %mul3A_328 = arith.constant 4 : i32
        %mul3A_329 = arith.muli %add3A_327, %mul3A_328 : i32
        %dma_start3A_330 = tpu.memref_slice %arg12[%mul3A_324] : memref<128xi32, #tpu.memory_space<vmem>> -> memref<16xi32, #tpu.memory_space<vmem>>
        %dma_start3A_331 = arith.constant 0 : i32
        %dma_start3A_332 = arith.constant 0 : i32
        %dma_start3A_333 = arith.constant 0 : i32
        %dma_start3A_334 = tpu.memref_slice %arg2[%dma_start3A_331, %dma_start3A_332, %dma_start3A_333] : memref<1000x4x128xf32, #tpu.memory_space<hbm>> -> memref<1000x4x128xf32, #tpu.memory_space<hbm>>
        tpu.enqueue_indirect_dma source(%dma_start3A_334 : memref<1000x4x128xf32, #tpu.memory_space<hbm>>) target(%arg16 : memref<16x4x128xf32, #tpu.memory_space<vmem>>) offsets(%dma_start3A_330 : memref<16xi32, #tpu.memory_space<vmem>>) semaphore(%arg34 : memref<!tpu.dma_semaphore, #tpu.memory_space<semaphore_mem>>)
        %dma_start3A_335 = tpu.memref_slice %arg12[%mul3A_324] : memref<128xi32, #tpu.memory_space<vmem>> -> memref<16xi32, #tpu.memory_space<vmem>>
        %dma_start3A_336 = arith.constant 0 : i32
        %dma_start3A_337 = arith.constant 0 : i32
        %dma_start3A_338 = arith.constant 0 : i32
        %dma_start3A_339 = tpu.memref_slice %arg3[%dma_start3A_336, %dma_start3A_337, %dma_start3A_338] : memref<1000x4x128xf32, #tpu.memory_space<hbm>> -> memref<1000x4x128xf32, #tpu.memory_space<hbm>>
        tpu.enqueue_indirect_dma source(%dma_start3A_339 : memref<1000x4x128xf32, #tpu.memory_space<hbm>>) target(%arg20 : memref<16x4x128xf32, #tpu.memory_space<vmem>>) offsets(%dma_start3A_335 : memref<16xi32, #tpu.memory_space<vmem>>) semaphore(%arg34 : memref<!tpu.dma_semaphore, #tpu.memory_space<semaphore_mem>>)
        %dma_start3A_340 = arith.constant 0 : i32
        %dma_start3A_341 = tpu.memref_slice %arg4[%mul3A_329, %dma_start3A_340] : memref<16384x128xf32, #tpu.memory_space<hbm>> -> memref<64x128xf32, #tpu.memory_space<hbm>>
        %dma_start3A_342 = arith.constant 0 : i32
        %dma_start3A_343 = tpu.memref_slice %arg4[%mul3A_329, %dma_start3A_342] : memref<16384x128xf32, #tpu.memory_space<hbm>> -> memref<64x128xf32, #tpu.memory_space<hbm>>
        tpu.enqueue_dma source(%dma_start3A_343 : memref<64x128xf32, #tpu.memory_space<hbm>>) target(%arg24 : memref<64x128xf32, #tpu.memory_space<vmem>>) target_semaphore(%arg34 : memref<!tpu.dma_semaphore, #tpu.memory_space<semaphore_mem>>)
      } else {
      }
      %mul3A_311 = arith.constant 16 : i32
      %mul3A_312 = arith.muli %add3A_270, %mul3A_311 : i32
      %add3A_313 = arith.addi %mul3A_2, %mul3A_312 : i32
      %mul3A_314 = arith.constant 4 : i32
      %mul3A_315 = arith.muli %add3A_313, %mul3A_314 : i32
      %dma_start3A_316 = arith.constant 0 : i32
      %dma_start3A_317 = tpu.memref_slice %arg9[%mul3A_315, %dma_start3A_316] : memref<16384x128xf32, #tpu.memory_space<hbm>> -> memref<64x128xf32, #tpu.memory_space<hbm>>
      %dma_start3A_318 = arith.constant 0 : i32
      %dma_start3A_319 = tpu.memref_slice %arg9[%mul3A_315, %dma_start3A_318] : memref<16384x128xf32, #tpu.memory_space<hbm>> -> memref<64x128xf32, #tpu.memory_space<hbm>>
      tpu.enqueue_dma source(%arg26 : memref<64x128xf32, #tpu.memory_space<vmem>>) target(%dma_start3A_319 : memref<64x128xf32, #tpu.memory_space<hbm>>) target_semaphore(%arg36 : memref<!tpu.dma_semaphore, #tpu.memory_space<semaphore_mem>>)
      %scan3A_320 = arith.constant 0 : i32
      scf.yield %scan3A_320 : i32
    }
    %scan3A_94 = arith.constant 2 : i32
    %add3A_95 = arith.constant 96 : i32
    %add3A_96 = arith.addi %mul3A_2, %add3A_95 : i32
    %mul3A_97 = arith.constant 4 : i32
    %mul3A_98 = arith.muli %add3A_96, %mul3A_97 : i32
    %dma_wait3A = arith.constant 0 : i32
    %dma_wait3A_99 = tpu.memref_slice %arg9[%mul3A_98, %dma_wait3A] : memref<16384x128xf32, #tpu.memory_space<hbm>> -> memref<64x128xf32, #tpu.memory_space<hbm>>
    %dma_wait3A_100 = arith.constant 0 : i32
    %dma_wait3A_101 = tpu.memref_slice %arg9[%mul3A_98, %dma_wait3A_100] : memref<16384x128xf32, #tpu.memory_space<hbm>> -> memref<64x128xf32, #tpu.memory_space<hbm>>
    tpu.wait_dma2 semaphore(%arg35 : memref<!tpu.dma_semaphore, #tpu.memory_space<semaphore_mem>>) src(%arg25 : memref<64x128xf32, #tpu.memory_space<vmem>>) dst(%dma_wait3A_101 : memref<64x128xf32, #tpu.memory_space<hbm>>)
    %add3A_102 = arith.constant 112 : i32
    %add3A_103 = arith.addi %mul3A_2, %add3A_102 : i32
    %mul3A_104 = arith.constant 4 : i32
    %mul3A_105 = arith.muli %add3A_103, %mul3A_104 : i32
    %dma_wait3A_106 = arith.constant 0 : i32
    %dma_wait3A_107 = tpu.memref_slice %arg9[%mul3A_105, %dma_wait3A_106] : memref<16384x128xf32, #tpu.memory_space<hbm>> -> memref<64x128xf32, #tpu.memory_space<hbm>>
    %dma_wait3A_108 = arith.constant 0 : i32
    %dma_wait3A_109 = tpu.memref_slice %arg9[%mul3A_105, %dma_wait3A_108] : memref<16384x128xf32, #tpu.memory_space<hbm>> -> memref<64x128xf32, #tpu.memory_space<hbm>>
    tpu.wait_dma2 semaphore(%arg36 : memref<!tpu.dma_semaphore, #tpu.memory_space<semaphore_mem>>) src(%arg26 : memref<64x128xf32, #tpu.memory_space<vmem>>) dst(%dma_wait3A_109 : memref<64x128xf32, #tpu.memory_space<hbm>>)
    return
  }
}

</mosaic_0001>

<sc_bundles>
// kernel: kernel.3.cloned.1.call-start
scs
__scs_entry_jumppad:
0x0: {  	(pc) =	sbr.rel $0x88, $3  }
0x1: {  	(tag) =	ssettag $0x0;
	lr =	simm.s32 $0x1  }
0x2: {  	[smem:$0x3F9A] =	sst lr;
	_ =	strace $0xD0000000  }
0x3: {  	_ = 	snop  }
0x4: {  	_ = 	snop  }
0x5: {  	_ = 	snop  }
0x6: {  	_ = 	snop  }
0x7: {  	_ = 	snop  }
__scs_overlays_trampoline_lowered:
0x8: {  	[smem:$0x3FA9] =	sst s0  }
0x9: {  	[smem:$0x3FAA] =	sst s1  }
0xa: {  	[smem:$0x3FAB] =	sst s2  }
0xb: {  	[smem:$0x3FAC] =	sst s3  }
0xc: {  	[smem:$0x3FAD] =	sst s4  }
0xd: {  	[smem:$0x3FAE] =	sst s5  }
0xe: {  	[smem:$0x3FAF] =	sst s6  }
0xf: {  	[smem:$0x3FB0] =	sst s7  }
0x10: {  	[smem:$0x3FB1] =	sst s8  }
0x11: {  	[smem:$0x3FB2] =	sst s9;
	s0 =	simm.s32 @!p0 $0x0  }
0x12: {  	s1 =	sld [smem:$0x3F98];
	s0 =	simm.s32 @p0 $0x1  }
0x13: {  	[smem:$0x3FB3] =	sst s0;
	s0 =	simm.s32 @!p1 $0x0  }
0x14: {  	s2 =	sld [smem:$0x3F97];
	s0 =	simm.s32 @p1 $0x1  }
0x15: {  	[smem:$0x3FB4] =	sst s0;
	s0 =	simm.s32 @!p2 $0x0  }
0x16: {  	s3 =	sld [smem:$0x3FDB];
	s0 =	simm.s32 @p2 $0x1  }
0x17: {  	s4 =	simm.s32 $0x1BF5;
	[smem:$0x3FB6] =	sst s0  }
0x18: {  	s0 =	sld [smem:$0x3F99];
	_ =	swait.ge [sflag:s4], $0x0  }
0x19: {  	s7 =	sld [smem:$0x3F9A]  }
0x1a: {  	s8 =	sadd.s32 $0xFFFFE003, lr  }
0x1b: {  	s9 =	sadd.s32 $0xFFFFFEF7, lr;
	s5 =	simm.s32 $0xFFFFFFFF;
	p2 =	slt.u32 s8, $0xFFFFF086  }
0x1c: {  	p1 =	slt.u32 s9, $0xF7A;
	s5 =	simm.s32 @!p2 $0x0  }
0x1d: {  	s5 =	simm.s32 @p1 $0x1;
	p0 =	seq.s32 s7, s2  }
0x1e: {  	s7 =	smul.u32 @!p0 $0xF7A, s2;
	p2 =	seq.s32 @!p0 s5, $0x0  }
0x1f: {  	s9 =	smul.u32 $0xF7A, s1;
	s8 =	simm.s32 @!p0 $0x1BF5;
	p2 =	por !p2, p0  }
0x20: {  	[sflag:s8] =	ssyncset.s32 @!p0 $0xFFFFF086;
	s6 =	sadd.s32 @!p0 s3, s7;
	s7 =	simm.s32 @!p0 $0x108  }
0x21: {  	s3 =	sadd.s32 s3, s9;
	s6 =	sadd.s32 @!p0 $0x88, s6;
	s7 =	simm.s32 @p2 $0x1082  }
0x22: {  	[simem:s7], [sflag:s8] =	dma.local @!p0 [hbm:s6], $0xF7A  }
0x23: {  	s9 =	sor.u32 $0xD0000000, s2;
	s6 =	simm.s32 $0x108;
	_ =	swait.ge @!p0 [sflag:s8], $0x0  }
0x24: {  	s3 =	sadd.s32 $0x88, s3;
	s6 =	simm.s32 @!p1 $0x1082;
	[sflag:s4] =	ssyncset.s32 $0xFFFFF086  }
0x25: {  	[simem:s6], [sflag:s4] =	dma.local [hbm:s3], $0xF7A  }
0x26: {  	[smem:$0x3F9A] =	sst s1;
	(tag) =	ssettag s2;
	_ =	strace s9  }
0x27: {  	s1 =	sld [smem:$0x3FAA]  }
0x28: {  	s2 =	sld [smem:$0x3FAB]  }
0x29: {  	s4 =	sld [smem:$0x3FAD]  }
0x2a: {  	p0 =	seq.s32 s5, $0x0;
	s5 =	sld [smem:$0x3FAE]  }
0x2b: {  	s6 =	sld [smem:$0x3FAF]  }
0x2c: {  	s7 =	sld [smem:$0x3FB0]  }
0x2d: {  	s3 =	simm.s32 $0x108;
	s8 =	sld [smem:$0x3FB1]  }
0x2e: {  	s3 =	simm.s32 @!p0 $0x1082;
	s9 =	sld [smem:$0x3FB2]  }
0x2f: {  	lr =	sadd.s32 s0, s3;
	s0 =	sld [smem:$0x3FA9]  }
0x30: {  	s3 =	sld [smem:$0x3FAC]  }
0x31: {  	[smem:$0x3FB5] =	sst s10  }
0x32: {  	s10 =	sld [smem:$0x3FB3];
	_ =	sdelay $0x3  }
0x33: {  	p0 =	seq.s32 s10, $0x1;
	s10 =	sld [smem:$0x3FB5];
	_ =	sdelay $0x3  }
0x34: {  	[smem:$0x3FB5] =	sst s10  }
0x35: {  	s10 =	sld [smem:$0x3FB4];
	_ =	sdelay $0x3  }
0x36: {  	p1 =	seq.s32 s10, $0x1;
	s10 =	sld [smem:$0x3FB5];
	_ =	sdelay $0x3  }
0x37: {  	[smem:$0x3FB5] =	sst s10  }
0x38: {  	s10 =	sld [smem:$0x3FB6]  }
0x39: {  	_ = 	snop;
	(pc) =	sbr.ind lr, $3  }
0x3a: {  	_ = 	snop  }
0x3b: {  	_ = 	snop  }
0x3c: {  	p2 =	seq.s32 s10, $0x1;
	s10 =	sld [smem:$0x3FB5]  }
0x3d: {  	_ =	shalt  }
0x3e: {  	_ =	shalt  }
0x3f: {  	_ =	shalt  }
0x40: {  	_ =	shalt  }
0x41: {  	_ =	shalt  }
0x42: {  	_ =	shalt  }
0x43: {  	_ =	shalt  }
0x44: {  	_ =	shalt  }
0x45: {  	_ =	shalt  }
0x46: {  	_ =	shalt  }
0x47: {  	_ =	shalt  }
0x48: {  	_ =	shalt  }
0x49: {  	_ =	shalt  }
0x4a: {  	_ =	shalt  }
0x4b: {  	_ =	shalt  }
0x4c: {  	_ =	shalt  }
0x4d: {  	_ =	shalt  }
0x4e: {  	_ =	shalt  }
0x4f: {  	_ =	shalt  }
0x50: {  	_ =	shalt  }
0x51: {  	_ =	shalt  }
0x52: {  	_ =	shalt  }
0x53: {  	_ =	shalt  }
0x54: {  	_ =	shalt  }
0x55: {  	_ =	shalt  }
0x56: {  	_ =	shalt  }
0x57: {  	_ =	shalt  }
0x58: {  	_ =	shalt  }
0x59: {  	_ =	shalt  }
0x5a: {  	_ =	shalt  }
0x5b: {  	_ =	shalt  }
0x5c: {  	_ =	shalt  }
0x5d: {  	_ =	shalt  }
0x5e: {  	_ =	shalt  }
0x5f: {  	_ =	shalt  }
0x60: {  	_ =	shalt  }
0x61: {  	_ =	shalt  }
0x62: {  	_ =	shalt  }
0x63: {  	_ =	shalt  }
0x64: {  	_ =	shalt  }
0x65: {  	_ =	shalt  }
0x66: {  	_ =	shalt  }
0x67: {  	_ =	shalt  }
0x68: {  	_ =	shalt  }
0x69: {  	_ =	shalt  }
0x6a: {  	_ =	shalt  }
0x6b: {  	_ =	shalt  }
0x6c: {  	_ =	shalt  }
0x6d: {  	_ =	shalt  }
0x6e: {  	_ =	shalt  }
0x6f: {  	_ =	shalt  }
0x70: {  	_ =	shalt  }
0x71: {  	_ =	shalt  }
0x72: {  	_ =	shalt  }
0x73: {  	_ =	shalt  }
0x74: {  	_ =	shalt  }
0x75: {  	_ =	shalt  }
0x76: {  	_ =	shalt  }
0x77: {  	_ =	shalt  }
0x78: {  	_ =	shalt  }
0x79: {  	_ =	shalt  }
0x7a: {  	_ =	shalt  }
0x7b: {  	_ =	shalt  }
0x7c: {  	_ =	shalt  }
0x7d: {  	_ =	shalt  }
0x7e: {  	_ =	shalt  }
0x7f: {  	_ =	shalt  }
0x80: {  	_ =	shalt  }
0x81: {  	_ =	shalt  }
0x82: {  	_ =	shalt  }
0x83: {  	_ =	shalt  }
0x84: {  	_ =	shalt  }
0x85: {  	_ =	shalt  }
0x86: {  	_ =	shalt  }
0x87: {  	_ =	shalt  }
.Lfunc_end0:
.L_simem_size_0:
called_computation_lowered:
.L_overlay_start_0:
0x88: {  	s2 =	sld [smem:$0x3FD9]  }
0x89: {  	s3 =	sld [smem:$0x3FFE];
	_ =	sdelay $0x1  }
0x8a: {  	s1 =	srdreg.scid  }
0x8b: {  	s0 =	sand.u32 $0x1, s1  }
0x8c: {  	s30 =	sshll.u32 s0, $0xA;
	s2 =	sadd.s32 s3, s2  }
0x8d: {  	s2 =	sadd.s32 s2, s30  }
0x8e: {  	[smem:$0x3FC1] =	sst s2  }
0x8f: {  	_ = 	snop  }
0x90: {  	s2 =	sld [smem:$0x3FC9]  }
0x91: {  	s31 =	sld [smem:$0x3FC8]  }
0x92: {  	s4 =	sld [smem:$0x3FC7]  }
0x93: {  	s5 =	sld [smem:$0x3FC6]  }
0x94: {  	s6 =	sld [smem:$0x3FD0]  }
0x95: {  	s7 =	sld [smem:$0x3FC5]  }
0x96: {  	s8 =	sld [smem:$0x3FC4]  }
0x97: {  	s10 =	simm.s32 $0xA;
	s11 =	simm.s32 $0x10;
	s9 =	sld [smem:$0x3FC3]  }
0x98: {  	[smem:s11], [sflag:s10] =	dma.local [hbm:s6], $0x1  }
0x99: {  	_ =	swait.eq [sflag:s10], $0x1  }
0x9a: {  	s17 =	sld [smem:$0x10];
	[sflag:s10] =	ssyncset.done $0x0  }
0x9b: {  	s18 =	sld [smem:$0x11];
	[sflag:s10] =	ssyncadd.s32 $0xFFFFFFFF  }
0x9c: {  	s19 =	sld [smem:$0x12];
	(tm) =	ssettm $0x1  }
0x9d: {  	s12 =	sld [smem:$0x3FFB];
	_ =	sdelay $0x3  }
0x9e: {  	_ =	strace s12  }
0x9f: {  	s12 =	sld [smem:$0x3FFC];
	_ =	sdelay $0x3  }
0xa0: {  	_ =	strace s12  }
0xa1: {  	s12 =	sld [smem:$0x3FFD];
	_ =	sdelay $0x3  }
0xa2: {  	_ =	strace s12  }
0xa3: {  	_ =	strace $0x8FFFFFFF  }
0xa4: {  	s20 =	sld [smem:$0x3FDB];
	_ =	sdelay $0x1  }
0xa5: {  	s13 =	simm.s32 $_scs_section_size  }
0xa6: {  	s14 =	simm.s32 $_size__tile_overlayer_lowered;
	s15 =	simm.s32 $_tile_overlayer_lowered  }
0xa7: {  	s23 =	simm.s32 $0x1BFF;
	s22 =	sshll.u32 s15, $0x1;
	s12 =	sadd.s32 s13, s20  }
0xa8: {  	s16 =	simm.s32 $0x0;
	s21 =	sshll.u32 s14, $0x1;
	s14 =	sadd.s32 s22, s12  }
0xa9: {  	[timem:s16], [sflag:s23] =	dma.local [hbm:s14], s21  }
0xaa: {  	_ =	swait.ge [sflag:s23], s21  }
0xab: {  	s13 =	ssub.s32 $0x0, s21;
	[sflag:s23] =	ssyncset.done $0x0  }
0xac: {  	[sflag:s23] =	ssyncadd.s32 s13;
	_ =	sdelay $0x1  }
0xad: {  	s24 =	simm.s32 $0x1B8B  }
0xae: {  	_ =	swait.ge [sflag:s24], $0x1  }
0xaf: {  	[sflag:s24] =	ssyncset.done $0x0  }
0xb0: {  	s25 =	simm.s32 $0x1B8E;
	[sflag:s24] =	ssyncadd.s32 $0xFFFFFFFF  }
0xb1: {  	s26 =	simm.s32 $execute0_lowered;
	[smem:$0x3FD2] =	sst s25  }
0xb2: {  	s13 =	sshll.u32 s26, $0x1;
	_ =	strace $0x80000046;
	[dreg:$0x1] =	wrdreg $0xFFFFFFFF  }
0xb3: {  	s28 =	simm.s32 $_size_execute0_lowered;
	s12 =	sadd.s32 s12, s13;
	[dreg:$0x0] =	wrdreg $0x0  }
0xb4: {  	s13 =	sshll.u32 s28, $0x1;
	[dreg:$0x2] =	wrdreg s12  }
0xb5: {  	[dreg:$0x3] =	wrdreg s13  }
0xb6: {  	[dreg:$0x4] =	wrdreg $0xC0  }
0xb7: {  	_ =	task [dreg:s16], $0x5FFFF  }
0xb8: {  	[dreg:$0x1] =	wrdreg $0xFFFFFFFF  }
0xb9: {  	[dreg:$0x0] =	wrdreg $0x60  }
0xba: {  	[dreg:$0x2] =	wrdreg s2  }
0xbb: {  	[dreg:$0x3] =	wrdreg s31  }
0xbc: {  	[dreg:$0x4] =	wrdreg s7  }
0xbd: {  	[dreg:$0x5] =	wrdreg s9  }
0xbe: {  	[dreg:$0x6] =	wrdreg s4  }
0xbf: {  	[dreg:$0x7] =	wrdreg s5  }
0xc0: {  	[dreg:$0x8] =	wrdreg s8  }
0xc1: {  	[dreg:$0x9] =	wrdreg s17  }
0xc2: {  	[dreg:$0xa] =	wrdreg s18  }
0xc3: {  	[dreg:$0xb] =	wrdreg s19  }
0xc4: {  	[dreg:$0xc] =	wrdreg $0x9  }
0xc5: {  	_ =	task.clear_ibuf [dreg:s16], $0xDFFFF;
	_ =	strace $0x90000046  }
0xc6: {  	s29 =	simm.s32 $0x9;
	_ =	strace $0x80000048  }
0xc7: {  	_ =	swait.ge [sflag:s29], $0x1  }
0xc8: {  	[sflag:s29] =	ssyncadd.s32 $0xFFFFFFFF  }
0xc9: {  	_ =	strace $0x90000048  }
0xca: {  	_ =	sfence  }
0xcb: {  	s30 =	sld [smem:$0x0];
	_ =	sdelay $0x2  }
0xcc: {  	s31 =	sshll.u32 s1, $0xD;
	s1 =	sshrl.u32 s1, $0x2  }
0xcd: {  	s3 =	sand.u32 $0x4000, s31;
	s1 =	sadd.s32 s1, s30  }
0xce: {  	s0 =	sor.u32 s3, s0;
	s1 =	sshll.u32 s1, $0x11  }
0xcf: {  	s0 =	sor.u32 s1, s0  }
0xd0: {  	s0 =	sadd.s32 $0x8F2B, s0  }
0xd1: {  	[sflag:s0] =	ssyncadd.remote.s32 $0x1  }
0xd2: {  	_ =	sfence.sel $0xFFFF  }
0xd3: {  	[dreg:$0x0] =	wrdreg $0xFFFFFFFF;
	(pc) =	sbr.abs _section_cstart, $3  }
0xd4: {  	[dreg:$0x1] =	wrdreg $0xFFFFFFFF  }
0xd5: {  	_ =	task.clear_ibuf [dreg:s16], $0x2FFFF;
	_ =	strace $0x9FFFFFFF  }
0xd6: {  	(tm) =	ssettm $0x7FFFFFFF  }
0xd7: {  	_ =	shalt  }
tec
execute0_lowered:
.L_overlay_start_1:
0x0: {  	(tag) =	ssettag $0x1  }
0x1: {  	s0 =	rddreg [dreg:$0x0]  }
0x2: {  	s1 =	rddreg [dreg:$0x1]  }
0x3: {  	s2 =	rddreg [dreg:$0x2]  }
0x4: {  	s3 =	rddreg [dreg:$0x3]  }
0x5: {  	s4 =	rddreg [dreg:$0x6]  }
0x6: {  	s5 =	rddreg [dreg:$0x7]  }
0x7: {  	s6 =	rddreg [dreg:$0x8]  }
0x8: {  	s9 =	rddreg [dreg:$0x9]  }
0x9: {  	s8 =	srdreg.scid;
	s10 =	stileid.u32;
	s7 =	simm.s32 $0x0  }
0xa: {  	s31 =	simm.s32 $0x6080;
	s29 =	simm.s32 $0x1;
	s13 =	simm.s32 $0x5  }
0xb: {  	s14 =	simm.s32 $0x4;
	s15 =	simm.s32 $0x6;
	s16 =	simm.s32 $0x70  }
0xc: {  	s30 =	simm.s32 $0x0;
	s8 =	sand.u32 $0x1, s8;
	s10 =	sshll.u32 s10, $0x1  }
0xd: {  	[smem:$0x7FF] =	sst s7;
	s19 =	sadd.s32 $0x400, s5;
	s11 =	ssub.s32 $0x2, s8  }
0xe: {  	s10 =	sor.u32 s8, s10;
	_ =	strace $0x80000047;
	s12 =	sshrl.u32 s11, $0x1  }
0xf: {  	s8 =	sshll.u32 s10, $0xD;
	s10 =	sshll.u32 s10, $0x4;
	s11 =	ssub.s32 s11, s12  }
0x10: {  	s2 =	sadd.s32 s2, s8;
	s3 =	sadd.s32 s3, s10;
	s21 =	sadd.s32 s9, s10  }
0x11: {  	s25 =	sadd.s32 s4, s10;
	s26 =	sadd.s32 s6, s10;
	[dreg:$0xc] =	wrdreg s3  }
0x12: {  	s6 =	simm.s32 $0x16080;
	s10 =	simm.s32 $0x18080;
	[dreg:$0xd] =	wrdreg s21  }
0x13: {  	s12 =	simm.s32 $0x1A080;
	s22 =	sadd.s32 $0x400, s2;
	[dreg:$0x11] =	wrdreg s25  }
0x14: {  	s23 =	sadd.s32 $0x800, s2;
	s24 =	sadd.s32 $0xC00, s2;
	[dreg:$0x12] =	wrdreg s26  }
0x15: {  	s17 =	sadd.s32 $0x1000, s2;
	s18 =	sadd.s32 $0x1400, s2;
	s20 =	sadd.s32 $0x1800, s2  }
.Ltmp0:
0x16: {  	s21 =	sadd.s32 $0x800, s5;
	[dreg:$0xb] =	wrdreg s2;
	(pc) =	sbr.rel .LBB2_1-.Ltmp0, $4  }
0x17: {  	s28 =	smax.u32 s11, $0x1;
	s25 =	simm.s32 $0x7;
	[dreg:$0xe] =	wrdreg s22  }
0x18: {  	s26 =	simm.s32 $0x10;
	s11 =	simm.s32 $0x2;
	[dreg:$0xf] =	wrdreg s23  }
0x19: {  	s3 =	simm.s32 $0x3;
	[dreg:$0x10] =	wrdreg s24;
	s22 =	sadd.s32 $0x1C00, s2  }
0x1a: {  	s23 =	sadd.s32 $0xC00, s5;
	[dreg:$0x13] =	wrdreg s28;
	s2 =	simm.s32 $0xE080  }
.LBB2_12:
0x1b: {  	[hbm4b:s4+s7] =	stream.linear.scatter [tilespmem:s12], [sflag:$0x6], $0x2000, $0x38;
	[tilespmem:$0x1C980] =	vst v63  }
0x1c: {  	_ =	swait.ge [sflag:s13], $0x2000  }
0x1d: {  	[sflag:s13] =	ssyncset.done $0x0  }
0x1e: {  	[sflag:s13] =	ssyncadd.s32 $0xFFFFE000  }
0x1f: {  	_ =	swait.ge [sflag:s15], $0x2000  }
0x20: {  	s30 =	sadd.s32 $0x1, s30;
	s28 =	rddreg [dreg:$0x13]  }
0x21: {  	p0 =	sne.s32 s30, s28  }
.Ltmp1:
0x22: {  	_ = 	snop;
	(pc) =	sbr.rel @!p0 .LBB2_13-.Ltmp1, $3  }
0x23: {  	_ =	sdelay $0x1  }
0x24: {  	[sflag:s15] =	ssyncset.done $0x0  }
0x25: {  	[sflag:s15] =	ssyncadd.s32 $0xFFFFE000  }
.LBB2_1:
0x26: {  	s4 =	rddreg [dreg:$0xc]  }
0x27: {  	[tilespmem:s7], [sflag:$0x7] =	stream.linear.gather [hbm4b:s4+s7], $0x80, $0x38;
	[tilespmem:$0x1C980] =	vst v63  }
0x28: {  	_ =	swait.ge [sflag:s25], $0x80  }
0x29: {  	[sflag:s25] =	ssyncset.done $0x0  }
0x2a: {  	s24 =	rddreg [dreg:$0xd];
	[sflag:s25] =	ssyncadd.s32 $0xFFFFFF80  }
0x2b: {  	[hbm4b:s24+s7] =	stream.linear.scatter [tilespmem:s7], [sflag:$0x7], $0x80, $0x38;
	[tilespmem:$0x1C980] =	vst v63  }
0x2c: {  	_ =	swait.ge [sflag:s25], $0x80  }
0x2d: {  	[sflag:s25] =	ssyncset.done $0x0  }
0x2e: {  	s28 =	simm.s32 $0x80;
	[sflag:s25] =	ssyncadd.s32 $0xFFFFFF80  }
0x2f: {  	[tilespmem:s28], [sflag:$0x1] =	stream.indirect.gather [hbm4b:s0+s26], $0x200, s7, s26, $0xb8;
	[tilespmem:$0x1C980] =	vst v63  }
0x30: {  	s9 =	simm.s32 $0x8080  }
0x31: {  	[tilespmem:s9], [sflag:$0x1] =	stream.indirect.gather [hbm4b:s1+s26], $0x200, s7, s26, $0xb8;
	[tilespmem:$0x1C980] =	vst v63  }
0x32: {  	s24 =	rddreg [dreg:$0xb];
	s9 =	simm.s32 $0x10080  }
0x33: {  	[tilespmem:s9], [sflag:$0x1] =	stream.linear.gather [hbm4b:s24+s7], $0x2000, $0x38;
	[tilespmem:$0x1C980] =	vst v63  }
0x34: {  	s28 =	simm.s32 $0x2080  }
0x35: {  	[tilespmem:s28], [sflag:$0x2] =	stream.indirect.gather [hbm4b:s0+s26], $0x200, s26, s26, $0xb8;
	[tilespmem:$0x1C980] =	vst v63  }
0x36: {  	s9 =	simm.s32 $0xA080  }
0x37: {  	[tilespmem:s9], [sflag:$0x2] =	stream.indirect.gather [hbm4b:s1+s26], $0x200, s26, s26, $0xb8;
	[tilespmem:$0x1C980] =	vst v63  }
0x38: {  	s24 =	rddreg [dreg:$0xe];
	s28 =	simm.s32 $0x12080  }
0x39: {  	[tilespmem:s28], [sflag:$0x2] =	stream.linear.gather [hbm4b:s24+s7], $0x2000, $0x38;
	[tilespmem:$0x1C980] =	vst v63  }
0x3a: {  	s4 =	simm.s32 $0x20;
	s24 =	simm.s32 $0x4080  }
0x3b: {  	[tilespmem:s24], [sflag:$0x3] =	stream.indirect.gather [hbm4b:s0+s26], $0x200, s4, s26, $0xb8;
	[tilespmem:$0x1C980] =	vst v63  }
0x3c: {  	s28 =	simm.s32 $0xC080  }
0x3d: {  	[tilespmem:s28], [sflag:$0x3] =	stream.indirect.gather [hbm4b:s1+s26], $0x200, s4, s26, $0xb8;
	[tilespmem:$0x1C980] =	vst v63  }
0x3e: {  	s9 =	rddreg [dreg:$0xf];
	s24 =	simm.s32 $0x14080  }
0x3f: {  	[tilespmem:s24], [sflag:$0x3] =	stream.linear.gather [hbm4b:s9+s7], $0x2000, $0x38;
	[tilespmem:$0x1C980] =	vst v63  }
0x40: {  	s28 =	simm.s32 $0x30  }
0x41: {  	[tilespmem:s31], [sflag:$0x4] =	stream.indirect.gather [hbm4b:s0+s26], $0x200, s28, s26, $0xb8;
	[tilespmem:$0x1C980] =	vst v63  }
0x42: {  	_ = 	snop  }
0x43: {  	[tilespmem:s2], [sflag:$0x4] =	stream.indirect.gather [hbm4b:s1+s26], $0x200, s28, s26, $0xb8;
	[tilespmem:$0x1C980] =	vst v63  }
0x44: {  	s9 =	rddreg [dreg:$0x10]  }
0x45: {  	[tilespmem:s6], [sflag:$0x4] =	stream.linear.gather [hbm4b:s9+s7], $0x2000, $0x38;
	[tilespmem:$0x1C980] =	vst v63  }
0x46: {  	s24 =	rddreg [dreg:$0x4];
	s9 =	simm.s32 $0x1C080  }
0x47: {  	[tilespmem:s9], [sflag:$0x7] =	stream.linear.gather [hbm4b:s24+s7], $0x400, $0x38;
	[tilespmem:$0x1C980] =	vst v63  }
0x48: {  	_ =	swait.ge [sflag:s25], $0x400  }
0x49: {  	[sflag:s25] =	ssyncset.done $0x0  }
0x4a: {  	[sflag:s25] =	ssyncadd.s32 $0xFFFFFC00  }
0x4b: {  	s24 =	simm.s32 $0x1C480;
	s28 =	rddreg [dreg:$0x5]  }
0x4c: {  	[tilespmem:s24], [sflag:$0x7] =	stream.linear.gather [hbm4b:s28+s7], $0x400, $0x38;
	[tilespmem:$0x1C980] =	vst v63  }
0x4d: {  	_ =	swait.ge [sflag:s25], $0x400  }
0x4e: {  	[sflag:s25] =	ssyncset.done $0x0  }
0x4f: {  	s28 =	simm.s32 $0x1C880;
	s4 =	rddreg [dreg:$0x11];
	[sflag:s25] =	ssyncadd.s32 $0xFFFFFC00  }
0x50: {  	[tilespmem:s28], [sflag:$0x7] =	stream.linear.gather [hbm4b:s4+s7], $0x80, $0x38;
	[tilespmem:$0x1C980] =	vst v63  }
0x51: {  	_ =	swait.ge [sflag:s25], $0x80  }
0x52: {  	[sflag:s25] =	ssyncset.done $0x0  }
0x53: {  	[sflag:s25] =	ssyncadd.s32 $0xFFFFFF80  }
0x54: {  	v0 =	vld [tilespmem:$0x0];
	_ =	sdelay $0x7  }
0x55: {  	v1 =	vld.idx.msk [tilespmem:v0+s24+$0x0], $0xffff;
	_ =	sdelay $0x4  }
0x56: {  	v1 =	vmul.f32 $1.442695020e+00, v1;
	_ =	sdelay $0x1  }
0x57: {  	(erf) = vpow2.f32 v1;
	_ =	sdelay $0x4  }
0x58: {  	v35 =	vld [tilespmem:$0x1C880];
	_ =	sdelay $0x1  }
0x59: {  	v0 =	vld.idx.msk [tilespmem:v0+s9+$0x0], $0xffff;
	_ =	sdelay $0x1  }
0x5a: {  	v2 =	vpop (erf)  }
0x5b: {  	v1 =	vmul.f32 v2, v35;
	_ =	sdelay $0x1  }
0x5c: {  	v0 =	vadd.f32 v1, v0;
	_ =	sdelay $0x1  }
0x5d: {  	v0 =	vmul.f32 $1.442695020e+00, v0;
	_ =	sdelay $0x1  }
0x5e: {  	(erf) = vpow2.f32 v0;
	_ =	sdelay $0x2  }
0x5f: {  	v36 =	vld [tilespmem:$0x10];
	_ =	sdelay $0x5  }
0x60: {  	v37 =	vpop (erf)  }
0x61: {  	[tilespmem:$0x1C900] =	vst v37  }
0x62: {  	v1 =	vld.idx.msk [tilespmem:v36+s24+$0x0], $0xffff;
	_ =	sdelay $0x4  }
0x63: {  	v1 =	vmul.f32 $1.442695020e+00, v1;
	_ =	sdelay $0x1  }
0x64: {  	(erf) = vpow2.f32 v1;
	_ =	sdelay $0x4  }
0x65: {  	v38 =	vld [tilespmem:$0x1C890];
	_ =	sdelay $0x1  }
0x66: {  	v0 =	vld.idx.msk [tilespmem:v36+s9+$0x0], $0xffff;
	_ =	sdelay $0x1  }
0x67: {  	v39 =	vpop (erf)  }
0x68: {  	v1 =	vmul.f32 v39, v38;
	_ =	sdelay $0x1  }
0x69: {  	v0 =	vadd.f32 v1, v0;
	_ =	sdelay $0x1  }
0x6a: {  	v0 =	vmul.f32 $1.442695020e+00, v0;
	_ =	sdelay $0x1  }
0x6b: {  	(erf) = vpow2.f32 v0;
	_ =	sdelay $0x2  }
0x6c: {  	v40 =	vld [tilespmem:$0x20];
	_ =	sdelay $0x5  }
0x6d: {  	v41 =	vpop (erf)  }
0x6e: {  	[tilespmem:$0x1C910] =	vst v41  }
0x6f: {  	v1 =	vld.idx.msk [tilespmem:v40+s24+$0x0], $0xffff;
	_ =	sdelay $0x4  }
0x70: {  	v1 =	vmul.f32 $1.442695020e+00, v1;
	_ =	sdelay $0x1  }
0x71: {  	(erf) = vpow2.f32 v1;
	_ =	sdelay $0x4  }
0x72: {  	v42 =	vld [tilespmem:$0x1C8A0];
	_ =	sdelay $0x1  }
0x73: {  	v0 =	vld.idx.msk [tilespmem:v40+s9+$0x0], $0xffff;
	_ =	sdelay $0x1  }
0x74: {  	v43 =	vpop (erf)  }
0x75: {  	v1 =	vmul.f32 v43, v42;
	_ =	sdelay $0x1  }
0x76: {  	v0 =	vadd.f32 v1, v0;
	_ =	sdelay $0x1  }
0x77: {  	v0 =	vmul.f32 $1.442695020e+00, v0;
	_ =	sdelay $0x1  }
0x78: {  	(erf) = vpow2.f32 v0;
	_ =	sdelay $0x2  }
0x79: {  	v44 =	vld [tilespmem:$0x30];
	_ =	sdelay $0x5  }
0x7a: {  	v45 =	vpop (erf)  }
0x7b: {  	[tilespmem:$0x1C920] =	vst v45  }
0x7c: {  	v1 =	vld.idx.msk [tilespmem:v44+s24+$0x0], $0xffff;
	_ =	sdelay $0x4  }
0x7d: {  	v1 =	vmul.f32 $1.442695020e+00, v1;
	_ =	sdelay $0x1  }
0x7e: {  	(erf) = vpow2.f32 v1;
	_ =	sdelay $0x4  }
0x7f: {  	v46 =	vld [tilespmem:$0x1C8B0];
	_ =	sdelay $0x1  }
0x80: {  	v0 =	vld.idx.msk [tilespmem:v44+s9+$0x0], $0xffff;
	_ =	sdelay $0x1  }
0x81: {  	v47 =	vpop (erf)  }
0x82: {  	v1 =	vmul.f32 v47, v46;
	_ =	sdelay $0x1  }
0x83: {  	v0 =	vadd.f32 v1, v0;
	_ =	sdelay $0x1  }
0x84: {  	v0 =	vmul.f32 $1.442695020e+00, v0;
	_ =	sdelay $0x1  }
0x85: {  	(erf) = vpow2.f32 v0;
	_ =	sdelay $0x2  }
0x86: {  	v48 =	vld [tilespmem:$0x40];
	_ =	sdelay $0x5  }
0x87: {  	v49 =	vpop (erf)  }
0x88: {  	[tilespmem:$0x1C930] =	vst v49  }
0x89: {  	v1 =	vld.idx.msk [tilespmem:v48+s24+$0x0], $0xffff;
	_ =	sdelay $0x4  }
0x8a: {  	v1 =	vmul.f32 $1.442695020e+00, v1;
	_ =	sdelay $0x1  }
0x8b: {  	(erf) = vpow2.f32 v1;
	_ =	sdelay $0x4  }
0x8c: {  	v50 =	vld [tilespmem:$0x1C8C0];
	_ =	sdelay $0x1  }
0x8d: {  	v0 =	vld.idx.msk [tilespmem:v48+s9+$0x0], $0xffff;
	_ =	sdelay $0x1  }
0x8e: {  	v51 =	vpop (erf)  }
0x8f: {  	v1 =	vmul.f32 v51, v50;
	_ =	sdelay $0x1  }
0x90: {  	v0 =	vadd.f32 v1, v0;
	_ =	sdelay $0x1  }
0x91: {  	v0 =	vmul.f32 $1.442695020e+00, v0;
	_ =	sdelay $0x1  }
0x92: {  	(erf) = vpow2.f32 v0;
	_ =	sdelay $0x2  }
0x93: {  	v52 =	vld [tilespmem:$0x50];
	_ =	sdelay $0x5  }
0x94: {  	v53 =	vpop (erf)  }
0x95: {  	[tilespmem:$0x1C940] =	vst v53  }
0x96: {  	v1 =	vld.idx.msk [tilespmem:v52+s24+$0x0], $0xffff;
	_ =	sdelay $0x4  }
0x97: {  	v1 =	vmul.f32 $1.442695020e+00, v1;
	_ =	sdelay $0x1  }
0x98: {  	(erf) = vpow2.f32 v1;
	_ =	sdelay $0x4  }
0x99: {  	v54 =	vld [tilespmem:$0x1C8D0];
	_ =	sdelay $0x1  }
0x9a: {  	v0 =	vld.idx.msk [tilespmem:v52+s9+$0x0], $0xffff;
	_ =	sdelay $0x1  }
0x9b: {  	v55 =	vpop (erf)  }
0x9c: {  	v1 =	vmul.f32 v55, v54;
	_ =	sdelay $0x1  }
0x9d: {  	v0 =	vadd.f32 v1, v0;
	_ =	sdelay $0x1  }
0x9e: {  	v0 =	vmul.f32 $1.442695020e+00, v0;
	_ =	sdelay $0x1  }
0x9f: {  	(erf) = vpow2.f32 v0;
	_ =	sdelay $0x2  }
0xa0: {  	v56 =	vld [tilespmem:$0x60];
	_ =	sdelay $0x5  }
0xa1: {  	v57 =	vpop (erf)  }
0xa2: {  	[tilespmem:$0x1C950] =	vst v57  }
0xa3: {  	v1 =	vld.idx.msk [tilespmem:v56+s24+$0x0], $0xffff;
	_ =	sdelay $0x4  }
0xa4: {  	v1 =	vmul.f32 $1.442695020e+00, v1;
	_ =	sdelay $0x1  }
0xa5: {  	(erf) = vpow2.f32 v1;
	_ =	sdelay $0x4  }
0xa6: {  	v58 =	vld [tilespmem:$0x1C8E0];
	_ =	sdelay $0x1  }
0xa7: {  	v0 =	vld.idx.msk [tilespmem:v56+s9+$0x0], $0xffff;
	_ =	sdelay $0x1  }
0xa8: {  	v59 =	vpop (erf)  }
0xa9: {  	v1 =	vmul.f32 v59, v58;
	_ =	sdelay $0x1  }
0xaa: {  	v0 =	vadd.f32 v1, v0;
	_ =	sdelay $0x1  }
0xab: {  	v0 =	vmul.f32 $1.442695020e+00, v0;
	_ =	sdelay $0x1  }
0xac: {  	(erf) = vpow2.f32 v0;
	_ =	sdelay $0x2  }
0xad: {  	v60 =	vld [tilespmem:$0x70];
	_ =	sdelay $0x5  }
0xae: {  	v61 =	vpop (erf)  }
0xaf: {  	[tilespmem:$0x1C960] =	vst v61  }
0xb0: {  	v1 =	vld.idx.msk [tilespmem:v60+s24+$0x0], $0xffff;
	_ =	sdelay $0x4  }
0xb1: {  	v1 =	vmul.f32 $1.442695020e+00, v1;
	_ =	sdelay $0x1  }
0xb2: {  	(erf) = vpow2.f32 v1;
	_ =	sdelay $0x4  }
0xb3: {  	v62 =	vld [tilespmem:$0x1C8F0];
	_ =	sdelay $0x1  }
0xb4: {  	v0 =	vld.idx.msk [tilespmem:v60+s9+$0x0], $0xffff;
	_ =	sdelay $0x1  }
0xb5: {  	v63 =	vpop (erf)  }
0xb6: {  	v1 =	vmul.f32 v63, v62;
	_ =	sdelay $0x1  }
0xb7: {  	v0 =	vadd.f32 v1, v0;
	_ =	sdelay $0x1  }
0xb8: {  	v0 =	vmul.f32 $1.442695020e+00, v0;
	_ =	sdelay $0x1  }
0xb9: {  	(erf) = vpow2.f32 v0;
	_ =	sdelay $0x8  }
0xba: {  	v0 =	vpop (erf)  }
0xbb: {  	s28 =	simm.s32 $0x1C900;
	s24 =	rddreg [dreg:$0x12];
	[tilespmem:$0x1C970] =	vst v0  }
0xbc: {  	[hbm4b:s24+s7] =	stream.linear.scatter [tilespmem:s28], [sflag:$0x7], $0x80, $0x38;
	[tilespmem:$0x1C980] =	vst v63  }
0xbd: {  	_ =	swait.ge [sflag:s25], $0x80  }
0xbe: {  	[sflag:s25] =	ssyncset.done $0x0  }
0xbf: {  	p0 =	por $0x1, $0x1;
	s4 =	simm.s32 $0x0;
	[sflag:s25] =	ssyncadd.s32 $0xFFFFFF80  }
.LBB2_2:
0xc0: {  	_ =	swait.ge [sflag:s29], $0x2000  }
0xc1: {  	[sflag:s29] =	ssyncset.done $0x0  }
0xc2: {  	[sflag:s29] =	ssyncadd.s32 $0xFFFFE000  }
0xc3: {  	_ =	swait.ge [sflag:s29], $0x2000  }
0xc4: {  	[sflag:s29] =	ssyncset.done $0x0  }
0xc5: {  	[sflag:s29] =	ssyncadd.s32 $0xFFFFE000  }
0xc6: {  	_ =	swait.ge [sflag:s29], $0x2000  }
0xc7: {  	[sflag:s29] =	ssyncset.done $0x0  }
0xc8: {  	s9 =	simm.s32 @!p0 $0x5;
	[sflag:s29] =	ssyncadd.s32 $0xFFFFE000  }
0xc9: {  	_ =	swait.ge @!p0 [sflag:s9], $0x2000  }
0xca: {  	[sflag:s9] =	ssyncset.done @!p0 $0x0  }
0xcb: {  	[sflag:s9] =	ssyncadd.s32 @!p0 $0xFFFFE000;
	s9 =	simm.s32 $0x0  }
0xcc: {  	v0 =	vld [tilespmem:s9+$0x80F0]  }
0xcd: {  	v1 =	vld [tilespmem:s9+$0x8080]  }
0xce: {  	v2 =	vld [tilespmem:s9+$0x8090]  }
0xcf: {  	v3 =	vld [tilespmem:s9+$0x80A0]  }
0xd0: {  	v7 =	vld [tilespmem:s9+$0x80E0]  }
0xd1: {  	v4 =	vld [tilespmem:s9+$0x80B0];
	v0 =	vmul.f32 $1.442695020e+00, v0  }
0xd2: {  	v5 =	vld [tilespmem:s9+$0x80C0]  }
0xd3: {  	v6 =	vld [tilespmem:s9+$0x80D0];
	v1 =	vmul.f32 $1.442695020e+00, v1;
	(erf) = vpow2.f32 v0  }
0xd4: {  	v2 =	vmul.f32 $1.442695020e+00, v2;
	v0 =	vmul.f32 $1.442695020e+00, v3  }
0xd5: {  	v8 =	vld [tilespmem:s9+$0x10080];
	v3 =	vmul.f32 $1.442695020e+00, v7;
	(erf) = vpow2.f32 v1  }
0xd6: {  	v9 =	vld [tilespmem:s9+$0x10090];
	v1 =	vmul.f32 $1.442695020e+00, v4;
	(erf) = vpow2.f32 v2  }
0xd7: {  	v12 =	vld [tilespmem:s9+$0x100D0];
	v2 =	vmul.f32 $1.442695020e+00, v5;
	(erf) = vpow2.f32 v0  }
0xd8: {  	v0 =	vmul.f32 $1.442695020e+00, v6;
	(erf) = vpow2.f32 v1;
	v1 =	vld [tilespmem:s9+$0x100F0]  }
0xd9: {  	v10 =	vld [tilespmem:s9+$0x80];
	(erf) = vpow2.f32 v2  }
0xda: {  	v2 =	vld [tilespmem:s9+$0xF0];
	(erf) = vpow2.f32 v0  }
0xdb: {  	v11 =	vld [tilespmem:s9+$0x90];
	(erf) = vpow2.f32 v3  }
0xdc: {  	v4 =	vld [tilespmem:s9+$0x100A0];
	v3 =	vpop (erf)  }
0xdd: {  	v5 =	vld [tilespmem:s9+$0x100B0];
	v3 =	vmul.f32 v3, v1  }
0xde: {  	v6 =	vld [tilespmem:s9+$0x100C0];
	v7 =	vpop (erf)  }
0xdf: {  	v0 =	vld [tilespmem:s9+$0x100E0];
	v13 =	vpop (erf);
	v14 =	vadd.f32 v3, v2  }
0xe0: {  	v1 =	vld [tilespmem:s9+$0xA0];
	v15 =	vpop (erf)  }
0xe1: {  	v8 =	vmul.f32 v7, v8;
	v2 =	vld [tilespmem:s9+$0xB0];
	v16 =	vpop (erf)  }
0xe2: {  	v3 =	vld [tilespmem:s9+$0xC0];
	v9 =	vmul.f32 v13, v9;
	v13 =	vpop (erf)  }
0xe3: {  	v7 =	vmul.f32 v15, v4;
	v10 =	vadd.f32 v8, v10;
	v4 =	vld [tilespmem:s9+$0xD0];
	[tilespmem:s9+$0x180F0] =	vst v14;
	v5 =	vmul.f32 v16, v5;
	v14 =	vpop (erf)  }
0xe4: {  	s24 =	sor.u32 s8, s4;
	s4 =	simm.s32 $0x80;
	s28 =	simm.s32 $0x400;
	v11 =	vadd.f32 v9, v11;
	v8 =	vmul.f32 v13, v6;
	v6 =	vld [tilespmem:s9+$0xE0];
	v9 =	vmul.f32 v14, v12;
	v12 =	vpop (erf)  }
.LBB2_3:
0xe5: {  	p1 =	sne.s32 s28, $0x7E00;
	v13 =	vld [tilespmem:s4+$0x80F0];
	[tilespmem:s9+$0x18080] =	vst v10;
	v1 =	vadd.f32 v7, v1;
	v0 =	vmul.f32 v12, v0  }
0xe6: {  	v7 =	vld [tilespmem:s4+$0x8080];
	[tilespmem:s9+$0x18090] =	vst v11;
	v2 =	vadd.f32 v5, v2  }
0xe7: {  	v5 =	vld [tilespmem:s4+$0x8090];
	[tilespmem:s9+$0x180A0] =	vst v1;
	v1 =	vadd.f32 v8, v3  }
0xe8: {  	v3 =	vld [tilespmem:s4+$0x80A0];
	[tilespmem:s9+$0x180B0] =	vst v2;
	v2 =	vadd.f32 v9, v4  }
0xe9: {  	v4 =	vld [tilespmem:s4+$0x80B0];
	[tilespmem:s9+$0x180C0] =	vst v1;
	v0 =	vadd.f32 v0, v6  }
0xea: {  	v1 =	vld [tilespmem:s4+$0x80C0];
	v6 =	vmul.f32 $1.442695020e+00, v13;
	[tilespmem:s9+$0x180D0] =	vst v2  }
0xeb: {  	v2 =	vmul.f32 $1.442695020e+00, v7;
	v7 =	vld [tilespmem:s4+$0x80D0];
	[tilespmem:s9+$0x180E0] =	vst v0;
	s9 =	smov.u32 s4  }
0xec: {  	v0 =	vmul.f32 $1.442695020e+00, v5;
	v5 =	vld [tilespmem:s9+$0x80E0];
	(erf) = vpow2.f32 v6  }
0xed: {  	v6 =	vld [tilespmem:s9+$0x10080];
	v3 =	vmul.f32 $1.442695020e+00, v3;
	(erf) = vpow2.f32 v2  }
0xee: {  	v2 =	vld [tilespmem:s9+$0x10090];
	v4 =	vmul.f32 $1.442695020e+00, v4;
	(erf) = vpow2.f32 v0  }
0xef: {  	v8 =	vld [tilespmem:s9+$0x100A0];
	v0 =	vmul.f32 $1.442695020e+00, v1;
	(erf) = vpow2.f32 v3  }
0xf0: {  	v3 =	vld [tilespmem:s9+$0x100B0];
	v1 =	vmul.f32 $1.442695020e+00, v7;
	(erf) = vpow2.f32 v4  }
0xf1: {  	v4 =	vmul.f32 $1.442695020e+00, v5;
	v5 =	vld [tilespmem:s9+$0x100F0];
	(erf) = vpow2.f32 v0  }
0xf2: {  	v9 =	vld [tilespmem:s9+$0x100C0];
	(erf) = vpow2.f32 v1  }
0xf3: {  	v7 =	vld [tilespmem:s9+$0xF0];
	(erf) = vpow2.f32 v4  }
0xf4: {  	v12 =	vld [tilespmem:s9+$0x100D0]  }
0xf5: {  	v0 =	vld [tilespmem:s9+$0x100E0];
	v1 =	vpop (erf)  }
0xf6: {  	v4 =	vld [tilespmem:s9+$0x80];
	v14 =	vmul.f32 v1, v5;
	v1 =	vpop (erf)  }
0xf7: {  	v6 =	vmul.f32 v1, v6;
	v11 =	vld [tilespmem:s9+$0x90];
	v1 =	vpop (erf)  }
.Ltmp2:
0xf8: {  	v13 =	vmul.f32 v1, v2;
	v1 =	vld [tilespmem:s9+$0xA0];
	v10 =	vadd.f32 v14, v7;
	v2 =	vpop (erf);
	(pc) =	sbr.rel @p1 .LBB2_3-.Ltmp2, $4  }
0xf9: {  	v7 =	vmul.f32 v2, v8;
	v2 =	vld [tilespmem:s9+$0xB0];
	v5 =	vpop (erf)  }
0xfa: {  	v5 =	vmul.f32 v5, v3;
	v3 =	vld [tilespmem:s9+$0xC0];
	[tilespmem:s9+$0x180F0] =	vst v10;
	v8 =	vpop (erf)  }
0xfb: {  	v10 =	vadd.f32 v6, v4;
	v8 =	vmul.f32 v8, v9;
	v4 =	vld [tilespmem:s9+$0xD0];
	v6 =	vpop (erf)  }
0xfc: {  	s4 =	sshra.s32 s28, $0x2;
	s28 =	sadd.s32 $0x200, s28;
	v11 =	vadd.f32 v13, v11;
	v9 =	vmul.f32 v6, v12;
	v6 =	vld [tilespmem:s9+$0xE0];
	v12 =	vpop (erf)  }
0xfd: {  	v13 =	vld [tilespmem:s4+$0x80F0];
	[tilespmem:s9+$0x18080] =	vst v10;
	v1 =	vadd.f32 v7, v1  }
0xfe: {  	v10 =	vld [tilespmem:s4+$0x8080];
	[tilespmem:s9+$0x18090] =	vst v11;
	v2 =	vadd.f32 v5, v2  }
0xff: {  	v0 =	vmul.f32 v12, v0;
	v7 =	vld [tilespmem:s4+$0x8090];
	[tilespmem:s9+$0x180A0] =	vst v1;
	v3 =	vadd.f32 v8, v3  }
0x100: {  	v1 =	vld [tilespmem:s4+$0x80A0];
	[tilespmem:s9+$0x180B0] =	vst v2;
	v4 =	vadd.f32 v9, v4  }
0x101: {  	v2 =	vld [tilespmem:s4+$0x80B0];
	[tilespmem:s9+$0x180C0] =	vst v3;
	v0 =	vadd.f32 v0, v6  }
0x102: {  	v3 =	vld [tilespmem:s4+$0x80C0];
	[tilespmem:s9+$0x180D0] =	vst v4  }
0x103: {  	v5 =	vmul.f32 $1.442695020e+00, v13;
	v4 =	vld [tilespmem:s4+$0x80D0];
	[tilespmem:s9+$0x180E0] =	vst v0  }
0x104: {  	v6 =	vmul.f32 $1.442695020e+00, v10;
	v0 =	vld [tilespmem:s4+$0x80E0]  }
0x105: {  	(erf) = vpow2.f32 v5;
	v5 =	vld [tilespmem:s4+$0x10080]  }
0x106: {  	v8 =	vld [tilespmem:s4+$0x10090];
	v7 =	vmul.f32 $1.442695020e+00, v7;
	(erf) = vpow2.f32 v6  }
0x107: {  	v9 =	vld [tilespmem:s4+$0x100A0];
	v1 =	vmul.f32 $1.442695020e+00, v1;
	v2 =	vmul.f32 $1.442695020e+00, v2  }
0x108: {  	v10 =	vld [tilespmem:s4+$0x80];
	(erf) = vpow2.f32 v7;
	v3 =	vmul.f32 $1.442695020e+00, v3  }
0x109: {  	v11 =	vld [tilespmem:s4+$0xA0];
	(erf) = vpow2.f32 v1;
	v4 =	vmul.f32 $1.442695020e+00, v4  }
0x10a: {  	v7 =	vld [tilespmem:s4+$0x100F0];
	(erf) = vpow2.f32 v2;
	v0 =	vmul.f32 $1.442695020e+00, v0  }
0x10b: {  	v13 =	vld [tilespmem:s4+$0xC0];
	(erf) = vpow2.f32 v3  }
0x10c: {  	v2 =	vld [tilespmem:s4+$0xF0];
	(erf) = vpow2.f32 v4  }
0x10d: {  	v6 =	vld [tilespmem:s4+$0x100B0];
	(erf) = vpow2.f32 v0  }
0x10e: {  	v1 =	vld [tilespmem:s4+$0x100C0];
	v0 =	vpop (erf)  }
0x10f: {  	v0 =	vmul.f32 v0, v7;
	v7 =	vld [tilespmem:s4+$0x90];
	v12 =	vpop (erf)  }
0x110: {  	v3 =	vld [tilespmem:s4+$0x100D0];
	v5 =	vmul.f32 v12, v5  }
0x111: {  	v12 =	vpop (erf);
	v0 =	vadd.f32 v0, v2;
	v2 =	vld [tilespmem:s4+$0xB0]  }
0x112: {  	v4 =	vld [tilespmem:s4+$0x100E0];
	v8 =	vmul.f32 v12, v8;
	v12 =	vpop (erf);
	v5 =	vadd.f32 v5, v10  }
0x113: {  	v10 =	vld [tilespmem:s4+$0xD0];
	[tilespmem:s4+$0x180F0] =	vst v0;
	v0 =	vmul.f32 v12, v9;
	v9 =	vpop (erf)  }
0x114: {  	v6 =	vmul.f32 v9, v6;
	v9 =	vpop (erf);
	v7 =	vadd.f32 v8, v7;
	v8 =	vld [tilespmem:s4+$0xE0]  }
0x115: {  	[tilespmem:s4+$0x18080] =	vst v5;
	v1 =	vmul.f32 v9, v1;
	v9 =	vpop (erf);
	v0 =	vadd.f32 v0, v11  }
0x116: {  	v3 =	vmul.f32 v9, v3;
	v5 =	vpop (erf);
	[tilespmem:s4+$0x18090] =	vst v7;
	v2 =	vadd.f32 v6, v2  }
0x117: {  	v4 =	vmul.f32 v5, v4;
	[tilespmem:s4+$0x180A0] =	vst v0;
	v0 =	vadd.f32 v1, v13  }
0x118: {  	[tilespmem:s4+$0x180B0] =	vst v2;
	v1 =	vadd.f32 v3, v10  }
0x119: {  	[tilespmem:s4+$0x180C0] =	vst v0;
	v0 =	vadd.f32 v4, v8  }
0x11a: {  	[tilespmem:s4+$0x180D0] =	vst v1  }
0x11b: {  	s28 =	simm.s32 @p0 $0x80;
	s9 =	simm.s32 @p0 $0x40;
	[tilespmem:s4+$0x180E0] =	vst v0;
	s4 =	simm.s32 @p0 $0x10  }
0x11c: {  	[tilespmem:s28], [sflag:$0x1] =	stream.indirect.gather @p0 [hbm4b:s0+s4], $0x200, s9, s4, $0xb8;
	[tilespmem:$0x1C980] =	vst v63  }
0x11d: {  	s28 =	simm.s32 @p0 $0x8080  }
0x11e: {  	[tilespmem:s28], [sflag:$0x1] =	stream.indirect.gather @p0 [hbm4b:s1+s4], $0x200, s9, s4, $0xb8;
	[tilespmem:$0x1C980] =	vst v63  }
0x11f: {  	s4 =	simm.s32 @p0 $0x0;
	s9 =	simm.s32 @p0 $0x10080  }
0x120: {  	[tilespmem:s9], [sflag:$0x1] =	stream.linear.gather @p0 [hbm4b:s17+s4], $0x2000, $0x38;
	[tilespmem:$0x1C980] =	vst v63  }
0x121: {  	s9 =	sadd.s32 s5, s24  }
0x122: {  	[hbm4b:s9+s7] =	stream.linear.scatter [tilespmem:s10], [sflag:$0x5], $0x2000, $0x38;
	[tilespmem:$0x1C980] =	vst v63  }
0x123: {  	_ =	swait.ge [sflag:s11], $0x2000  }
0x124: {  	[sflag:s11] =	ssyncset.done $0x0  }
0x125: {  	[sflag:s11] =	ssyncadd.s32 $0xFFFFE000  }
0x126: {  	_ =	swait.ge [sflag:s11], $0x2000  }
0x127: {  	[sflag:s11] =	ssyncset.done $0x0  }
0x128: {  	[sflag:s11] =	ssyncadd.s32 $0xFFFFE000  }
0x129: {  	_ =	swait.ge [sflag:s11], $0x2000  }
0x12a: {  	[sflag:s11] =	ssyncset.done $0x0  }
0x12b: {  	s4 =	simm.s32 @!p0 $0x6;
	[sflag:s11] =	ssyncadd.s32 $0xFFFFE000  }
0x12c: {  	_ =	swait.ge @!p0 [sflag:s4], $0x2000  }
0x12d: {  	[sflag:s4] =	ssyncset.done @!p0 $0x0  }
0x12e: {  	s9 =	simm.s32 $0x0;
	[sflag:s4] =	ssyncadd.s32 @!p0 $0xFFFFE000  }
0x12f: {  	v0 =	vld [tilespmem:s9+$0xA0F0]  }
0x130: {  	v1 =	vld [tilespmem:s9+$0xA080]  }
0x131: {  	v2 =	vld [tilespmem:s9+$0xA090]  }
0x132: {  	v3 =	vld [tilespmem:s9+$0xA0A0]  }
0x133: {  	v7 =	vld [tilespmem:s9+$0xA0E0]  }
0x134: {  	v4 =	vld [tilespmem:s9+$0xA0B0];
	v0 =	vmul.f32 $1.442695020e+00, v0  }
0x135: {  	v5 =	vld [tilespmem:s9+$0xA0C0]  }
0x136: {  	v6 =	vld [tilespmem:s9+$0xA0D0];
	v1 =	vmul.f32 $1.442695020e+00, v1;
	(erf) = vpow2.f32 v0  }
0x137: {  	v2 =	vmul.f32 $1.442695020e+00, v2;
	v0 =	vmul.f32 $1.442695020e+00, v3  }
0x138: {  	v8 =	vld [tilespmem:s9+$0x12080];
	v3 =	vmul.f32 $1.442695020e+00, v7;
	(erf) = vpow2.f32 v1  }
0x139: {  	v9 =	vld [tilespmem:s9+$0x12090];
	v1 =	vmul.f32 $1.442695020e+00, v4;
	(erf) = vpow2.f32 v2  }
0x13a: {  	v12 =	vld [tilespmem:s9+$0x120D0];
	v2 =	vmul.f32 $1.442695020e+00, v5;
	(erf) = vpow2.f32 v0  }
0x13b: {  	v0 =	vmul.f32 $1.442695020e+00, v6;
	(erf) = vpow2.f32 v1;
	v1 =	vld [tilespmem:s9+$0x120F0]  }
0x13c: {  	v10 =	vld [tilespmem:s9+$0x2080];
	(erf) = vpow2.f32 v2  }
0x13d: {  	v2 =	vld [tilespmem:s9+$0x20F0];
	(erf) = vpow2.f32 v0  }
0x13e: {  	v11 =	vld [tilespmem:s9+$0x2090];
	(erf) = vpow2.f32 v3  }
0x13f: {  	v4 =	vld [tilespmem:s9+$0x120A0];
	v3 =	vpop (erf)  }
0x140: {  	v5 =	vld [tilespmem:s9+$0x120B0];
	v3 =	vmul.f32 v3, v1  }
0x141: {  	v6 =	vld [tilespmem:s9+$0x120C0];
	v7 =	vpop (erf)  }
0x142: {  	v0 =	vld [tilespmem:s9+$0x120E0];
	v13 =	vpop (erf);
	v14 =	vadd.f32 v3, v2  }
0x143: {  	v1 =	vld [tilespmem:s9+$0x20A0];
	v15 =	vpop (erf)  }
0x144: {  	v8 =	vmul.f32 v7, v8;
	v2 =	vld [tilespmem:s9+$0x20B0];
	v16 =	vpop (erf)  }
0x145: {  	v3 =	vld [tilespmem:s9+$0x20C0];
	v9 =	vmul.f32 v13, v9;
	v13 =	vpop (erf)  }
0x146: {  	v7 =	vmul.f32 v15, v4;
	v10 =	vadd.f32 v8, v10;
	v4 =	vld [tilespmem:s9+$0x20D0];
	[tilespmem:s9+$0x1A0F0] =	vst v14;
	v5 =	vmul.f32 v16, v5;
	v14 =	vpop (erf)  }
0x147: {  	s28 =	simm.s32 $0x400;
	s4 =	simm.s32 $0x80;
	v11 =	vadd.f32 v9, v11;
	v8 =	vmul.f32 v13, v6;
	v6 =	vld [tilespmem:s9+$0x20E0];
	v9 =	vmul.f32 v14, v12;
	v12 =	vpop (erf)  }
.LBB2_5:
0x148: {  	p1 =	sne.s32 s28, $0x7E00;
	v13 =	vld [tilespmem:s4+$0xA0F0];
	[tilespmem:s9+$0x1A080] =	vst v10;
	v1 =	vadd.f32 v7, v1;
	v0 =	vmul.f32 v12, v0  }
0x149: {  	v7 =	vld [tilespmem:s4+$0xA080];
	[tilespmem:s9+$0x1A090] =	vst v11;
	v2 =	vadd.f32 v5, v2  }
0x14a: {  	v5 =	vld [tilespmem:s4+$0xA090];
	[tilespmem:s9+$0x1A0A0] =	vst v1;
	v1 =	vadd.f32 v8, v3  }
0x14b: {  	v3 =	vld [tilespmem:s4+$0xA0A0];
	[tilespmem:s9+$0x1A0B0] =	vst v2;
	v2 =	vadd.f32 v9, v4  }
0x14c: {  	v4 =	vld [tilespmem:s4+$0xA0B0];
	[tilespmem:s9+$0x1A0C0] =	vst v1;
	v0 =	vadd.f32 v0, v6  }
0x14d: {  	v1 =	vld [tilespmem:s4+$0xA0C0];
	v6 =	vmul.f32 $1.442695020e+00, v13;
	[tilespmem:s9+$0x1A0D0] =	vst v2  }
0x14e: {  	v2 =	vmul.f32 $1.442695020e+00, v7;
	v7 =	vld [tilespmem:s4+$0xA0D0];
	[tilespmem:s9+$0x1A0E0] =	vst v0;
	s9 =	smov.u32 s4  }
0x14f: {  	v0 =	vmul.f32 $1.442695020e+00, v5;
	v5 =	vld [tilespmem:s9+$0xA0E0];
	(erf) = vpow2.f32 v6  }
0x150: {  	v6 =	vld [tilespmem:s9+$0x12080];
	v3 =	vmul.f32 $1.442695020e+00, v3;
	(erf) = vpow2.f32 v2  }
0x151: {  	v2 =	vld [tilespmem:s9+$0x12090];
	v4 =	vmul.f32 $1.442695020e+00, v4;
	(erf) = vpow2.f32 v0  }
0x152: {  	v8 =	vld [tilespmem:s9+$0x120A0];
	v0 =	vmul.f32 $1.442695020e+00, v1;
	(erf) = vpow2.f32 v3  }
0x153: {  	v3 =	vld [tilespmem:s9+$0x120B0];
	v1 =	vmul.f32 $1.442695020e+00, v7;
	(erf) = vpow2.f32 v4  }
0x154: {  	v4 =	vmul.f32 $1.442695020e+00, v5;
	v5 =	vld [tilespmem:s9+$0x120F0];
	(erf) = vpow2.f32 v0  }
0x155: {  	v9 =	vld [tilespmem:s9+$0x120C0];
	(erf) = vpow2.f32 v1  }
0x156: {  	v7 =	vld [tilespmem:s9+$0x20F0];
	(erf) = vpow2.f32 v4  }
0x157: {  	v12 =	vld [tilespmem:s9+$0x120D0]  }
0x158: {  	v0 =	vld [tilespmem:s9+$0x120E0];
	v1 =	vpop (erf)  }
0x159: {  	v4 =	vld [tilespmem:s9+$0x2080];
	v14 =	vmul.f32 v1, v5;
	v1 =	vpop (erf)  }
0x15a: {  	v6 =	vmul.f32 v1, v6;
	v11 =	vld [tilespmem:s9+$0x2090];
	v1 =	vpop (erf)  }
.Ltmp3:
0x15b: {  	v13 =	vmul.f32 v1, v2;
	v1 =	vld [tilespmem:s9+$0x20A0];
	v10 =	vadd.f32 v14, v7;
	v2 =	vpop (erf);
	(pc) =	sbr.rel @p1 .LBB2_5-.Ltmp3, $4  }
0x15c: {  	v7 =	vmul.f32 v2, v8;
	v2 =	vld [tilespmem:s9+$0x20B0];
	v5 =	vpop (erf)  }
0x15d: {  	v5 =	vmul.f32 v5, v3;
	v3 =	vld [tilespmem:s9+$0x20C0];
	[tilespmem:s9+$0x1A0F0] =	vst v10;
	v8 =	vpop (erf)  }
0x15e: {  	v10 =	vadd.f32 v6, v4;
	v8 =	vmul.f32 v8, v9;
	v4 =	vld [tilespmem:s9+$0x20D0];
	v6 =	vpop (erf)  }
0x15f: {  	s4 =	sshra.s32 s28, $0x2;
	s28 =	sadd.s32 $0x200, s28;
	v11 =	vadd.f32 v13, v11;
	v9 =	vmul.f32 v6, v12;
	v6 =	vld [tilespmem:s9+$0x20E0];
	v12 =	vpop (erf)  }
0x160: {  	v13 =	vld [tilespmem:s4+$0xA0F0];
	[tilespmem:s9+$0x1A080] =	vst v10;
	v1 =	vadd.f32 v7, v1  }
0x161: {  	v10 =	vld [tilespmem:s4+$0xA080];
	[tilespmem:s9+$0x1A090] =	vst v11;
	v2 =	vadd.f32 v5, v2  }
0x162: {  	v0 =	vmul.f32 v12, v0;
	v7 =	vld [tilespmem:s4+$0xA090];
	[tilespmem:s9+$0x1A0A0] =	vst v1;
	v3 =	vadd.f32 v8, v3  }
0x163: {  	v1 =	vld [tilespmem:s4+$0xA0A0];
	[tilespmem:s9+$0x1A0B0] =	vst v2;
	v4 =	vadd.f32 v9, v4  }
0x164: {  	v2 =	vld [tilespmem:s4+$0xA0B0];
	[tilespmem:s9+$0x1A0C0] =	vst v3;
	v0 =	vadd.f32 v0, v6  }
0x165: {  	v3 =	vld [tilespmem:s4+$0xA0C0];
	[tilespmem:s9+$0x1A0D0] =	vst v4  }
0x166: {  	v5 =	vmul.f32 $1.442695020e+00, v13;
	v4 =	vld [tilespmem:s4+$0xA0D0];
	[tilespmem:s9+$0x1A0E0] =	vst v0  }
0x167: {  	v6 =	vmul.f32 $1.442695020e+00, v10;
	v0 =	vld [tilespmem:s4+$0xA0E0]  }
0x168: {  	(erf) = vpow2.f32 v5;
	v5 =	vld [tilespmem:s4+$0x12080]  }
0x169: {  	v8 =	vld [tilespmem:s4+$0x12090];
	v7 =	vmul.f32 $1.442695020e+00, v7;
	(erf) = vpow2.f32 v6  }
0x16a: {  	v9 =	vld [tilespmem:s4+$0x120A0];
	v1 =	vmul.f32 $1.442695020e+00, v1;
	v2 =	vmul.f32 $1.442695020e+00, v2  }
0x16b: {  	v10 =	vld [tilespmem:s4+$0x2080];
	(erf) = vpow2.f32 v7;
	v3 =	vmul.f32 $1.442695020e+00, v3  }
0x16c: {  	v11 =	vld [tilespmem:s4+$0x20A0];
	(erf) = vpow2.f32 v1;
	v4 =	vmul.f32 $1.442695020e+00, v4  }
0x16d: {  	v7 =	vld [tilespmem:s4+$0x120F0];
	(erf) = vpow2.f32 v2;
	v0 =	vmul.f32 $1.442695020e+00, v0  }
0x16e: {  	v13 =	vld [tilespmem:s4+$0x20C0];
	(erf) = vpow2.f32 v3  }
0x16f: {  	v2 =	vld [tilespmem:s4+$0x20F0];
	(erf) = vpow2.f32 v4  }
0x170: {  	v6 =	vld [tilespmem:s4+$0x120B0];
	(erf) = vpow2.f32 v0  }
0x171: {  	v1 =	vld [tilespmem:s4+$0x120C0];
	v0 =	vpop (erf)  }
0x172: {  	v0 =	vmul.f32 v0, v7;
	v7 =	vld [tilespmem:s4+$0x2090];
	v12 =	vpop (erf)  }
0x173: {  	v3 =	vld [tilespmem:s4+$0x120D0];
	v5 =	vmul.f32 v12, v5  }
0x174: {  	v12 =	vpop (erf);
	v0 =	vadd.f32 v0, v2;
	v2 =	vld [tilespmem:s4+$0x20B0]  }
0x175: {  	v4 =	vld [tilespmem:s4+$0x120E0];
	v8 =	vmul.f32 v12, v8;
	v12 =	vpop (erf);
	v5 =	vadd.f32 v5, v10  }
0x176: {  	v10 =	vld [tilespmem:s4+$0x20D0];
	[tilespmem:s4+$0x1A0F0] =	vst v0;
	v0 =	vmul.f32 v12, v9;
	v9 =	vpop (erf)  }
0x177: {  	v6 =	vmul.f32 v9, v6;
	v9 =	vpop (erf);
	v7 =	vadd.f32 v8, v7;
	v8 =	vld [tilespmem:s4+$0x20E0]  }
0x178: {  	[tilespmem:s4+$0x1A080] =	vst v5;
	v1 =	vmul.f32 v9, v1;
	v9 =	vpop (erf);
	v0 =	vadd.f32 v0, v11  }
0x179: {  	v3 =	vmul.f32 v9, v3;
	v5 =	vpop (erf);
	[tilespmem:s4+$0x1A090] =	vst v7;
	v2 =	vadd.f32 v6, v2  }
0x17a: {  	v4 =	vmul.f32 v5, v4;
	[tilespmem:s4+$0x1A0A0] =	vst v0;
	v0 =	vadd.f32 v1, v13  }
0x17b: {  	[tilespmem:s4+$0x1A0B0] =	vst v2;
	v1 =	vadd.f32 v3, v10  }
0x17c: {  	[tilespmem:s4+$0x1A0C0] =	vst v0;
	v0 =	vadd.f32 v4, v8  }
0x17d: {  	[tilespmem:s4+$0x1A0D0] =	vst v1  }
0x17e: {  	s28 =	simm.s32 @p0 $0x2080;
	s9 =	simm.s32 @p0 $0x50;
	[tilespmem:s4+$0x1A0E0] =	vst v0;
	s4 =	simm.s32 @p0 $0x10  }
0x17f: {  	[tilespmem:s28], [sflag:$0x2] =	stream.indirect.gather @p0 [hbm4b:s0+s4], $0x200, s9, s4, $0xb8;
	[tilespmem:$0x1C980] =	vst v63  }
0x180: {  	s28 =	simm.s32 @p0 $0xA080  }
0x181: {  	[tilespmem:s28], [sflag:$0x2] =	stream.indirect.gather @p0 [hbm4b:s1+s4], $0x200, s9, s4, $0xb8;
	[tilespmem:$0x1C980] =	vst v63  }
0x182: {  	s4 =	simm.s32 @p0 $0x0;
	s9 =	simm.s32 @p0 $0x12080  }
0x183: {  	[tilespmem:s9], [sflag:$0x2] =	stream.linear.gather @p0 [hbm4b:s18+s4], $0x2000, $0x38;
	[tilespmem:$0x1C980] =	vst v63  }
0x184: {  	s4 =	sadd.s32 s24, s19;
	s9 =	simm.s32 $0x0  }
0x185: {  	[hbm4b:s4+s9] =	stream.linear.scatter [tilespmem:s12], [sflag:$0x6], $0x2000, $0x38;
	[tilespmem:$0x1C980] =	vst v63  }
0x186: {  	_ =	swait.ge [sflag:s3], $0x2000  }
0x187: {  	[sflag:s3] =	ssyncset.done $0x0  }
0x188: {  	[sflag:s3] =	ssyncadd.s32 $0xFFFFE000  }
0x189: {  	_ =	swait.ge [sflag:s3], $0x2000  }
0x18a: {  	[sflag:s3] =	ssyncset.done $0x0  }
0x18b: {  	[sflag:s3] =	ssyncadd.s32 $0xFFFFE000  }
0x18c: {  	_ =	swait.ge [sflag:s3], $0x2000  }
0x18d: {  	[sflag:s3] =	ssyncset.done $0x0  }
0x18e: {  	[sflag:s3] =	ssyncadd.s32 $0xFFFFE000  }
0x18f: {  	_ =	swait.ge [sflag:s13], $0x2000  }
0x190: {  	[sflag:s13] =	ssyncset.done $0x0  }
0x191: {  	s9 =	simm.s32 $0x0;
	[sflag:s13] =	ssyncadd.s32 $0xFFFFE000  }
0x192: {  	v0 =	vld [tilespmem:s9+$0xC0F0]  }
0x193: {  	v1 =	vld [tilespmem:s9+$0xC080]  }
0x194: {  	v2 =	vld [tilespmem:s9+$0xC090]  }
0x195: {  	v3 =	vld [tilespmem:s9+$0xC0A0]  }
0x196: {  	v7 =	vld [tilespmem:s9+$0xC0E0]  }
0x197: {  	v4 =	vld [tilespmem:s9+$0xC0B0];
	v0 =	vmul.f32 $1.442695020e+00, v0  }
0x198: {  	v5 =	vld [tilespmem:s9+$0xC0C0]  }
0x199: {  	v6 =	vld [tilespmem:s9+$0xC0D0];
	v1 =	vmul.f32 $1.442695020e+00, v1;
	(erf) = vpow2.f32 v0  }
0x19a: {  	v2 =	vmul.f32 $1.442695020e+00, v2;
	v0 =	vmul.f32 $1.442695020e+00, v3  }
0x19b: {  	v8 =	vld [tilespmem:s9+$0x14080];
	v3 =	vmul.f32 $1.442695020e+00, v7;
	(erf) = vpow2.f32 v1  }
0x19c: {  	v9 =	vld [tilespmem:s9+$0x14090];
	v1 =	vmul.f32 $1.442695020e+00, v4;
	(erf) = vpow2.f32 v2  }
0x19d: {  	v12 =	vld [tilespmem:s9+$0x140D0];
	v2 =	vmul.f32 $1.442695020e+00, v5;
	(erf) = vpow2.f32 v0  }
0x19e: {  	v0 =	vmul.f32 $1.442695020e+00, v6;
	(erf) = vpow2.f32 v1;
	v1 =	vld [tilespmem:s9+$0x140F0]  }
0x19f: {  	v10 =	vld [tilespmem:s9+$0x4080];
	(erf) = vpow2.f32 v2  }
0x1a0: {  	v2 =	vld [tilespmem:s9+$0x40F0];
	(erf) = vpow2.f32 v0  }
0x1a1: {  	v11 =	vld [tilespmem:s9+$0x4090];
	(erf) = vpow2.f32 v3  }
0x1a2: {  	v4 =	vld [tilespmem:s9+$0x140A0];
	v3 =	vpop (erf)  }
0x1a3: {  	v5 =	vld [tilespmem:s9+$0x140B0];
	v3 =	vmul.f32 v3, v1  }
0x1a4: {  	v6 =	vld [tilespmem:s9+$0x140C0];
	v7 =	vpop (erf)  }
0x1a5: {  	v0 =	vld [tilespmem:s9+$0x140E0];
	v13 =	vpop (erf);
	v14 =	vadd.f32 v3, v2  }
0x1a6: {  	v1 =	vld [tilespmem:s9+$0x40A0];
	v15 =	vpop (erf)  }
0x1a7: {  	v8 =	vmul.f32 v7, v8;
	v2 =	vld [tilespmem:s9+$0x40B0];
	v16 =	vpop (erf)  }
0x1a8: {  	v3 =	vld [tilespmem:s9+$0x40C0];
	v9 =	vmul.f32 v13, v9;
	v13 =	vpop (erf)  }
0x1a9: {  	v7 =	vmul.f32 v15, v4;
	v10 =	vadd.f32 v8, v10;
	v4 =	vld [tilespmem:s9+$0x40D0];
	[tilespmem:s9+$0x180F0] =	vst v14;
	v5 =	vmul.f32 v16, v5;
	v14 =	vpop (erf)  }
0x1aa: {  	s28 =	simm.s32 $0x400;
	s4 =	simm.s32 $0x80;
	v11 =	vadd.f32 v9, v11;
	v8 =	vmul.f32 v13, v6;
	v6 =	vld [tilespmem:s9+$0x40E0];
	v9 =	vmul.f32 v14, v12;
	v12 =	vpop (erf)  }
.LBB2_7:
0x1ab: {  	p1 =	sne.s32 s28, $0x7E00;
	v13 =	vld [tilespmem:s4+$0xC0F0];
	[tilespmem:s9+$0x18080] =	vst v10;
	v1 =	vadd.f32 v7, v1;
	v0 =	vmul.f32 v12, v0  }
0x1ac: {  	v7 =	vld [tilespmem:s4+$0xC080];
	[tilespmem:s9+$0x18090] =	vst v11;
	v2 =	vadd.f32 v5, v2  }
0x1ad: {  	v5 =	vld [tilespmem:s4+$0xC090];
	[tilespmem:s9+$0x180A0] =	vst v1;
	v1 =	vadd.f32 v8, v3  }
0x1ae: {  	v3 =	vld [tilespmem:s4+$0xC0A0];
	[tilespmem:s9+$0x180B0] =	vst v2;
	v2 =	vadd.f32 v9, v4  }
0x1af: {  	v4 =	vld [tilespmem:s4+$0xC0B0];
	[tilespmem:s9+$0x180C0] =	vst v1;
	v0 =	vadd.f32 v0, v6  }
0x1b0: {  	v1 =	vld [tilespmem:s4+$0xC0C0];
	v6 =	vmul.f32 $1.442695020e+00, v13;
	[tilespmem:s9+$0x180D0] =	vst v2  }
0x1b1: {  	v2 =	vmul.f32 $1.442695020e+00, v7;
	v7 =	vld [tilespmem:s4+$0xC0D0];
	[tilespmem:s9+$0x180E0] =	vst v0;
	s9 =	smov.u32 s4  }
0x1b2: {  	v0 =	vmul.f32 $1.442695020e+00, v5;
	v5 =	vld [tilespmem:s9+$0xC0E0];
	(erf) = vpow2.f32 v6  }
0x1b3: {  	v6 =	vld [tilespmem:s9+$0x14080];
	v3 =	vmul.f32 $1.442695020e+00, v3;
	(erf) = vpow2.f32 v2  }
0x1b4: {  	v2 =	vld [tilespmem:s9+$0x14090];
	v4 =	vmul.f32 $1.442695020e+00, v4;
	(erf) = vpow2.f32 v0  }
0x1b5: {  	v8 =	vld [tilespmem:s9+$0x140A0];
	v0 =	vmul.f32 $1.442695020e+00, v1;
	(erf) = vpow2.f32 v3  }
0x1b6: {  	v3 =	vld [tilespmem:s9+$0x140B0];
	v1 =	vmul.f32 $1.442695020e+00, v7;
	(erf) = vpow2.f32 v4  }
0x1b7: {  	v4 =	vmul.f32 $1.442695020e+00, v5;
	v5 =	vld [tilespmem:s9+$0x140F0];
	(erf) = vpow2.f32 v0  }
0x1b8: {  	v9 =	vld [tilespmem:s9+$0x140C0];
	(erf) = vpow2.f32 v1  }
0x1b9: {  	v7 =	vld [tilespmem:s9+$0x40F0];
	(erf) = vpow2.f32 v4  }
0x1ba: {  	v12 =	vld [tilespmem:s9+$0x140D0]  }
0x1bb: {  	v0 =	vld [tilespmem:s9+$0x140E0];
	v1 =	vpop (erf)  }
0x1bc: {  	v4 =	vld [tilespmem:s9+$0x4080];
	v14 =	vmul.f32 v1, v5;
	v1 =	vpop (erf)  }
0x1bd: {  	v6 =	vmul.f32 v1, v6;
	v11 =	vld [tilespmem:s9+$0x4090];
	v1 =	vpop (erf)  }
.Ltmp4:
0x1be: {  	v13 =	vmul.f32 v1, v2;
	v1 =	vld [tilespmem:s9+$0x40A0];
	v10 =	vadd.f32 v14, v7;
	v2 =	vpop (erf);
	(pc) =	sbr.rel @p1 .LBB2_7-.Ltmp4, $4  }
0x1bf: {  	v7 =	vmul.f32 v2, v8;
	v2 =	vld [tilespmem:s9+$0x40B0];
	v5 =	vpop (erf)  }
0x1c0: {  	v5 =	vmul.f32 v5, v3;
	v3 =	vld [tilespmem:s9+$0x40C0];
	[tilespmem:s9+$0x180F0] =	vst v10;
	v8 =	vpop (erf)  }
0x1c1: {  	v10 =	vadd.f32 v6, v4;
	v8 =	vmul.f32 v8, v9;
	v4 =	vld [tilespmem:s9+$0x40D0];
	v6 =	vpop (erf)  }
0x1c2: {  	s4 =	sshra.s32 s28, $0x2;
	s28 =	sadd.s32 $0x200, s28;
	v11 =	vadd.f32 v13, v11;
	v9 =	vmul.f32 v6, v12;
	v6 =	vld [tilespmem:s9+$0x40E0];
	v12 =	vpop (erf)  }
0x1c3: {  	v13 =	vld [tilespmem:s4+$0xC0F0];
	[tilespmem:s9+$0x18080] =	vst v10;
	v1 =	vadd.f32 v7, v1  }
0x1c4: {  	v10 =	vld [tilespmem:s4+$0xC080];
	[tilespmem:s9+$0x18090] =	vst v11;
	v2 =	vadd.f32 v5, v2  }
0x1c5: {  	v0 =	vmul.f32 v12, v0;
	v7 =	vld [tilespmem:s4+$0xC090];
	[tilespmem:s9+$0x180A0] =	vst v1;
	v3 =	vadd.f32 v8, v3  }
0x1c6: {  	v1 =	vld [tilespmem:s4+$0xC0A0];
	[tilespmem:s9+$0x180B0] =	vst v2;
	v4 =	vadd.f32 v9, v4  }
0x1c7: {  	v2 =	vld [tilespmem:s4+$0xC0B0];
	[tilespmem:s9+$0x180C0] =	vst v3;
	v0 =	vadd.f32 v0, v6  }
0x1c8: {  	v3 =	vld [tilespmem:s4+$0xC0C0];
	[tilespmem:s9+$0x180D0] =	vst v4  }
0x1c9: {  	v5 =	vmul.f32 $1.442695020e+00, v13;
	v4 =	vld [tilespmem:s4+$0xC0D0];
	[tilespmem:s9+$0x180E0] =	vst v0  }
0x1ca: {  	v6 =	vmul.f32 $1.442695020e+00, v10;
	v0 =	vld [tilespmem:s4+$0xC0E0]  }
0x1cb: {  	(erf) = vpow2.f32 v5;
	v5 =	vld [tilespmem:s4+$0x14080]  }
0x1cc: {  	v8 =	vld [tilespmem:s4+$0x14090];
	v7 =	vmul.f32 $1.442695020e+00, v7;
	(erf) = vpow2.f32 v6  }
0x1cd: {  	v9 =	vld [tilespmem:s4+$0x140A0];
	v1 =	vmul.f32 $1.442695020e+00, v1;
	v2 =	vmul.f32 $1.442695020e+00, v2  }
0x1ce: {  	v10 =	vld [tilespmem:s4+$0x4080];
	(erf) = vpow2.f32 v7;
	v3 =	vmul.f32 $1.442695020e+00, v3  }
0x1cf: {  	v11 =	vld [tilespmem:s4+$0x40A0];
	(erf) = vpow2.f32 v1;
	v4 =	vmul.f32 $1.442695020e+00, v4  }
0x1d0: {  	v7 =	vld [tilespmem:s4+$0x140F0];
	(erf) = vpow2.f32 v2;
	v0 =	vmul.f32 $1.442695020e+00, v0  }
0x1d1: {  	v13 =	vld [tilespmem:s4+$0x40C0];
	(erf) = vpow2.f32 v3  }
0x1d2: {  	v2 =	vld [tilespmem:s4+$0x40F0];
	(erf) = vpow2.f32 v4  }
0x1d3: {  	v6 =	vld [tilespmem:s4+$0x140B0];
	(erf) = vpow2.f32 v0  }
0x1d4: {  	v1 =	vld [tilespmem:s4+$0x140C0];
	v0 =	vpop (erf)  }
0x1d5: {  	v0 =	vmul.f32 v0, v7;
	v7 =	vld [tilespmem:s4+$0x4090];
	v12 =	vpop (erf)  }
0x1d6: {  	v3 =	vld [tilespmem:s4+$0x140D0];
	v5 =	vmul.f32 v12, v5  }
0x1d7: {  	v12 =	vpop (erf);
	v0 =	vadd.f32 v0, v2;
	v2 =	vld [tilespmem:s4+$0x40B0]  }
0x1d8: {  	v4 =	vld [tilespmem:s4+$0x140E0];
	v8 =	vmul.f32 v12, v8;
	v12 =	vpop (erf);
	v5 =	vadd.f32 v5, v10  }
0x1d9: {  	v10 =	vld [tilespmem:s4+$0x40D0];
	[tilespmem:s4+$0x180F0] =	vst v0;
	v0 =	vmul.f32 v12, v9;
	v9 =	vpop (erf)  }
0x1da: {  	v6 =	vmul.f32 v9, v6;
	v9 =	vpop (erf);
	v7 =	vadd.f32 v8, v7;
	v8 =	vld [tilespmem:s4+$0x40E0]  }
0x1db: {  	[tilespmem:s4+$0x18080] =	vst v5;
	v1 =	vmul.f32 v9, v1;
	v9 =	vpop (erf);
	v0 =	vadd.f32 v0, v11  }
0x1dc: {  	v3 =	vmul.f32 v9, v3;
	v5 =	vpop (erf);
	[tilespmem:s4+$0x18090] =	vst v7;
	v2 =	vadd.f32 v6, v2  }
0x1dd: {  	v4 =	vmul.f32 v5, v4;
	[tilespmem:s4+$0x180A0] =	vst v0;
	v0 =	vadd.f32 v1, v13  }
0x1de: {  	[tilespmem:s4+$0x180B0] =	vst v2;
	v1 =	vadd.f32 v3, v10  }
0x1df: {  	[tilespmem:s4+$0x180C0] =	vst v0;
	v0 =	vadd.f32 v4, v8  }
0x1e0: {  	[tilespmem:s4+$0x180D0] =	vst v1  }
0x1e1: {  	s28 =	simm.s32 @p0 $0x4080;
	s9 =	simm.s32 @p0 $0x60;
	[tilespmem:s4+$0x180E0] =	vst v0;
	s4 =	simm.s32 @p0 $0x10  }
0x1e2: {  	[tilespmem:s28], [sflag:$0x3] =	stream.indirect.gather @p0 [hbm4b:s0+s4], $0x200, s9, s4, $0xb8;
	[tilespmem:$0x1C980] =	vst v63  }
0x1e3: {  	s28 =	simm.s32 @p0 $0xC080  }
0x1e4: {  	[tilespmem:s28], [sflag:$0x3] =	stream.indirect.gather @p0 [hbm4b:s1+s4], $0x200, s9, s4, $0xb8;
	[tilespmem:$0x1C980] =	vst v63  }
0x1e5: {  	s4 =	simm.s32 @p0 $0x0;
	s9 =	simm.s32 @p0 $0x14080  }
0x1e6: {  	[tilespmem:s9], [sflag:$0x3] =	stream.linear.gather @p0 [hbm4b:s20+s4], $0x2000, $0x38;
	[tilespmem:$0x1C980] =	vst v63  }
0x1e7: {  	s4 =	sadd.s32 s24, s21;
	s9 =	simm.s32 $0x0  }
0x1e8: {  	[hbm4b:s4+s9] =	stream.linear.scatter [tilespmem:s10], [sflag:$0x5], $0x2000, $0x38;
	[tilespmem:$0x1C980] =	vst v63  }
0x1e9: {  	_ =	swait.ge [sflag:s14], $0x2000  }
0x1ea: {  	[sflag:s14] =	ssyncset.done $0x0  }
0x1eb: {  	[sflag:s14] =	ssyncadd.s32 $0xFFFFE000  }
0x1ec: {  	_ =	swait.ge [sflag:s14], $0x2000  }
0x1ed: {  	[sflag:s14] =	ssyncset.done $0x0  }
0x1ee: {  	[sflag:s14] =	ssyncadd.s32 $0xFFFFE000  }
0x1ef: {  	_ =	swait.ge [sflag:s14], $0x2000  }
0x1f0: {  	[sflag:s14] =	ssyncset.done $0x0  }
0x1f1: {  	[sflag:s14] =	ssyncadd.s32 $0xFFFFE000  }
0x1f2: {  	_ =	swait.ge [sflag:s15], $0x2000  }
0x1f3: {  	[sflag:s15] =	ssyncset.done $0x0  }
0x1f4: {  	s9 =	simm.s32 $0x0;
	[sflag:s15] =	ssyncadd.s32 $0xFFFFE000  }
0x1f5: {  	v0 =	vld [tilespmem:s9+$0xE0F0]  }
0x1f6: {  	v1 =	vld [tilespmem:s9+$0xE080]  }
0x1f7: {  	v2 =	vld [tilespmem:s9+$0xE090]  }
0x1f8: {  	v3 =	vld [tilespmem:s9+$0xE0A0]  }
0x1f9: {  	v7 =	vld [tilespmem:s9+$0xE0E0]  }
0x1fa: {  	v4 =	vld [tilespmem:s9+$0xE0B0];
	v0 =	vmul.f32 $1.442695020e+00, v0  }
0x1fb: {  	v5 =	vld [tilespmem:s9+$0xE0C0]  }
0x1fc: {  	v6 =	vld [tilespmem:s9+$0xE0D0];
	v1 =	vmul.f32 $1.442695020e+00, v1;
	(erf) = vpow2.f32 v0  }
0x1fd: {  	v2 =	vmul.f32 $1.442695020e+00, v2;
	v0 =	vmul.f32 $1.442695020e+00, v3  }
0x1fe: {  	v8 =	vld [tilespmem:s9+$0x16080];
	v3 =	vmul.f32 $1.442695020e+00, v7;
	(erf) = vpow2.f32 v1  }
0x1ff: {  	v9 =	vld [tilespmem:s9+$0x16090];
	v1 =	vmul.f32 $1.442695020e+00, v4;
	(erf) = vpow2.f32 v2  }
0x200: {  	v12 =	vld [tilespmem:s9+$0x160D0];
	v2 =	vmul.f32 $1.442695020e+00, v5;
	(erf) = vpow2.f32 v0  }
0x201: {  	v0 =	vmul.f32 $1.442695020e+00, v6;
	(erf) = vpow2.f32 v1;
	v1 =	vld [tilespmem:s9+$0x160F0]  }
0x202: {  	v10 =	vld [tilespmem:s9+$0x6080];
	(erf) = vpow2.f32 v2  }
0x203: {  	v2 =	vld [tilespmem:s9+$0x60F0];
	(erf) = vpow2.f32 v0  }
0x204: {  	v11 =	vld [tilespmem:s9+$0x6090];
	(erf) = vpow2.f32 v3  }
0x205: {  	v4 =	vld [tilespmem:s9+$0x160A0];
	v3 =	vpop (erf)  }
0x206: {  	v5 =	vld [tilespmem:s9+$0x160B0];
	v3 =	vmul.f32 v3, v1  }
0x207: {  	v6 =	vld [tilespmem:s9+$0x160C0];
	v7 =	vpop (erf)  }
0x208: {  	v0 =	vld [tilespmem:s9+$0x160E0];
	v13 =	vpop (erf);
	v14 =	vadd.f32 v3, v2  }
0x209: {  	v1 =	vld [tilespmem:s9+$0x60A0];
	v15 =	vpop (erf)  }
0x20a: {  	v8 =	vmul.f32 v7, v8;
	v2 =	vld [tilespmem:s9+$0x60B0];
	v16 =	vpop (erf)  }
0x20b: {  	v3 =	vld [tilespmem:s9+$0x60C0];
	v9 =	vmul.f32 v13, v9;
	v13 =	vpop (erf)  }
0x20c: {  	v7 =	vmul.f32 v15, v4;
	v10 =	vadd.f32 v8, v10;
	v4 =	vld [tilespmem:s9+$0x60D0];
	[tilespmem:s9+$0x1A0F0] =	vst v14;
	v5 =	vmul.f32 v16, v5;
	v14 =	vpop (erf)  }
0x20d: {  	s28 =	simm.s32 $0x400;
	s4 =	simm.s32 $0x80;
	v11 =	vadd.f32 v9, v11;
	v8 =	vmul.f32 v13, v6;
	v6 =	vld [tilespmem:s9+$0x60E0];
	v9 =	vmul.f32 v14, v12;
	v12 =	vpop (erf)  }
.LBB2_9:
0x20e: {  	p1 =	sne.s32 s28, $0x7E00;
	v13 =	vld [tilespmem:s4+$0xE0F0];
	[tilespmem:s9+$0x1A080] =	vst v10;
	v1 =	vadd.f32 v7, v1;
	v0 =	vmul.f32 v12, v0  }
0x20f: {  	v7 =	vld [tilespmem:s4+$0xE080];
	[tilespmem:s9+$0x1A090] =	vst v11;
	v2 =	vadd.f32 v5, v2  }
0x210: {  	v5 =	vld [tilespmem:s4+$0xE090];
	[tilespmem:s9+$0x1A0A0] =	vst v1;
	v1 =	vadd.f32 v8, v3  }
0x211: {  	v3 =	vld [tilespmem:s4+$0xE0A0];
	[tilespmem:s9+$0x1A0B0] =	vst v2;
	v2 =	vadd.f32 v9, v4  }
0x212: {  	v4 =	vld [tilespmem:s4+$0xE0B0];
	[tilespmem:s9+$0x1A0C0] =	vst v1;
	v0 =	vadd.f32 v0, v6  }
0x213: {  	v1 =	vld [tilespmem:s4+$0xE0C0];
	v6 =	vmul.f32 $1.442695020e+00, v13;
	[tilespmem:s9+$0x1A0D0] =	vst v2  }
0x214: {  	v2 =	vmul.f32 $1.442695020e+00, v7;
	v7 =	vld [tilespmem:s4+$0xE0D0];
	[tilespmem:s9+$0x1A0E0] =	vst v0;
	s9 =	smov.u32 s4  }
0x215: {  	v0 =	vmul.f32 $1.442695020e+00, v5;
	v5 =	vld [tilespmem:s9+$0xE0E0];
	(erf) = vpow2.f32 v6  }
0x216: {  	v6 =	vld [tilespmem:s9+$0x16080];
	v3 =	vmul.f32 $1.442695020e+00, v3;
	(erf) = vpow2.f32 v2  }
0x217: {  	v2 =	vld [tilespmem:s9+$0x16090];
	v4 =	vmul.f32 $1.442695020e+00, v4;
	(erf) = vpow2.f32 v0  }
0x218: {  	v8 =	vld [tilespmem:s9+$0x160A0];
	v0 =	vmul.f32 $1.442695020e+00, v1;
	(erf) = vpow2.f32 v3  }
0x219: {  	v3 =	vld [tilespmem:s9+$0x160B0];
	v1 =	vmul.f32 $1.442695020e+00, v7;
	(erf) = vpow2.f32 v4  }
0x21a: {  	v4 =	vmul.f32 $1.442695020e+00, v5;
	v5 =	vld [tilespmem:s9+$0x160F0];
	(erf) = vpow2.f32 v0  }
0x21b: {  	v9 =	vld [tilespmem:s9+$0x160C0];
	(erf) = vpow2.f32 v1  }
0x21c: {  	v7 =	vld [tilespmem:s9+$0x60F0];
	(erf) = vpow2.f32 v4  }
0x21d: {  	v12 =	vld [tilespmem:s9+$0x160D0]  }
0x21e: {  	v0 =	vld [tilespmem:s9+$0x160E0];
	v1 =	vpop (erf)  }
0x21f: {  	v4 =	vld [tilespmem:s9+$0x6080];
	v14 =	vmul.f32 v1, v5;
	v1 =	vpop (erf)  }
0x220: {  	v6 =	vmul.f32 v1, v6;
	v11 =	vld [tilespmem:s9+$0x6090];
	v1 =	vpop (erf)  }
.Ltmp5:
0x221: {  	v13 =	vmul.f32 v1, v2;
	v1 =	vld [tilespmem:s9+$0x60A0];
	v10 =	vadd.f32 v14, v7;
	v2 =	vpop (erf);
	(pc) =	sbr.rel @p1 .LBB2_9-.Ltmp5, $4  }
0x222: {  	v7 =	vmul.f32 v2, v8;
	v2 =	vld [tilespmem:s9+$0x60B0];
	v5 =	vpop (erf)  }
0x223: {  	v5 =	vmul.f32 v5, v3;
	v3 =	vld [tilespmem:s9+$0x60C0];
	[tilespmem:s9+$0x1A0F0] =	vst v10;
	v8 =	vpop (erf)  }
0x224: {  	v10 =	vadd.f32 v6, v4;
	v8 =	vmul.f32 v8, v9;
	v4 =	vld [tilespmem:s9+$0x60D0];
	v6 =	vpop (erf)  }
0x225: {  	s4 =	sshra.s32 s28, $0x2;
	s28 =	sadd.s32 $0x200, s28;
	v11 =	vadd.f32 v13, v11;
	v9 =	vmul.f32 v6, v12;
	v6 =	vld [tilespmem:s9+$0x60E0];
	v12 =	vpop (erf)  }
0x226: {  	v13 =	vld [tilespmem:s4+$0xE0F0];
	[tilespmem:s9+$0x1A080] =	vst v10;
	v1 =	vadd.f32 v7, v1  }
0x227: {  	v10 =	vld [tilespmem:s4+$0xE080];
	[tilespmem:s9+$0x1A090] =	vst v11;
	v2 =	vadd.f32 v5, v2  }
0x228: {  	v0 =	vmul.f32 v12, v0;
	v34 =	vld [tilespmem:s4+$0xE090];
	[tilespmem:s9+$0x1A0A0] =	vst v1;
	v3 =	vadd.f32 v8, v3  }
0x229: {  	v1 =	vld [tilespmem:s4+$0xE0A0];
	[tilespmem:s9+$0x1A0B0] =	vst v2;
	v4 =	vadd.f32 v9, v4  }
0x22a: {  	v2 =	vld [tilespmem:s4+$0xE0B0];
	[tilespmem:s9+$0x1A0C0] =	vst v3;
	v0 =	vadd.f32 v0, v6  }
0x22b: {  	v3 =	vld [tilespmem:s4+$0xE0C0];
	[tilespmem:s9+$0x1A0D0] =	vst v4  }
0x22c: {  	v4 =	vld [tilespmem:s4+$0xE0D0];
	[tilespmem:s9+$0x1A0E0] =	vst v0  }
0x22d: {  	v35 =	vmul.f32 $1.442695020e+00, v13;
	v0 =	vld [tilespmem:s4+$0xE0E0]  }
0x22e: {  	v37 =	vmul.f32 $1.442695020e+00, v10;
	v36 =	vld [tilespmem:s4+$0x16080]  }
0x22f: {  	(erf) = vpow2.f32 v35;
	v38 =	vld [tilespmem:s4+$0x16090];
	v7 =	vmul.f32 $1.442695020e+00, v34  }
0x230: {  	v39 =	vld [tilespmem:s4+$0x160A0];
	v1 =	vmul.f32 $1.442695020e+00, v1;
	(erf) = vpow2.f32 v37  }
0x231: {  	v40 =	vld [tilespmem:s4+$0x160B0];
	v2 =	vmul.f32 $1.442695020e+00, v2;
	(erf) = vpow2.f32 v7  }
0x232: {  	v41 =	vld [tilespmem:s4+$0x160F0];
	v3 =	vmul.f32 $1.442695020e+00, v3;
	(erf) = vpow2.f32 v1  }
0x233: {  	v42 =	vld [tilespmem:s4+$0x160C0];
	v4 =	vmul.f32 $1.442695020e+00, v4;
	(erf) = vpow2.f32 v2  }
0x234: {  	v43 =	vld [tilespmem:s4+$0x60F0];
	v0 =	vmul.f32 $1.442695020e+00, v0;
	(erf) = vpow2.f32 v3  }
0x235: {  	v44 =	vld [tilespmem:s4+$0x160D0];
	(erf) = vpow2.f32 v4  }
0x236: {  	v45 =	vld [tilespmem:s4+$0x160E0];
	(erf) = vpow2.f32 v0  }
0x237: {  	v47 =	vld [tilespmem:s4+$0x6080]  }
0x238: {  	v48 =	vld [tilespmem:s4+$0x6090];
	v46 =	vpop (erf)  }
0x239: {  	v11 =	vld [tilespmem:s4+$0x60A0];
	v0 =	vmul.f32 v46, v41;
	v49 =	vpop (erf)  }
0x23a: {  	v50 =	vld [tilespmem:s4+$0x60B0];
	v5 =	vmul.f32 v49, v36;
	v51 =	vpop (erf)  }
0x23b: {  	v52 =	vld [tilespmem:s4+$0x60C0];
	v0 =	vadd.f32 v0, v43;
	v8 =	vmul.f32 v51, v38;
	v53 =	vpop (erf)  }
0x23c: {  	v56 =	vld [tilespmem:s4+$0x60D0];
	v54 =	vmul.f32 v53, v39;
	v55 =	vpop (erf);
	v5 =	vadd.f32 v5, v47  }
0x23d: {  	v58 =	vld [tilespmem:s4+$0x60E0];
	[tilespmem:s4+$0x1A0F0] =	vst v0;
	v6 =	vmul.f32 v55, v40;
	v57 =	vpop (erf);
	v7 =	vadd.f32 v8, v48  }
0x23e: {  	v1 =	vmul.f32 v57, v42;
	v59 =	vpop (erf);
	[tilespmem:s4+$0x1A080] =	vst v5;
	v0 =	vadd.f32 v54, v11  }
0x23f: {  	v3 =	vmul.f32 v59, v44;
	v60 =	vpop (erf);
	[tilespmem:s4+$0x1A090] =	vst v7;
	v2 =	vadd.f32 v6, v50  }
.Ltmp6:
0x240: {  	v4 =	vmul.f32 v60, v45;
	[tilespmem:s4+$0x1A0A0] =	vst v0;
	v61 =	vadd.f32 v1, v52;
	(pc) =	sbr.rel @!p0 .LBB2_12-.Ltmp6, $4  }
0x241: {  	[tilespmem:s4+$0x1A0B0] =	vst v2;
	v62 =	vadd.f32 v3, v56  }
0x242: {  	[tilespmem:s4+$0x1A0C0] =	vst v61;
	v63 =	vadd.f32 v4, v58  }
0x243: {  	[tilespmem:s4+$0x1A0D0] =	vst v62  }
0x244: {  	[tilespmem:s4+$0x1A0E0] =	vst v63;
	s4 =	sadd.s32 s24, s23  }
0x245: {  	[tilespmem:s31], [sflag:$0x4] =	stream.indirect.gather [hbm4b:s0+s26], $0x200, s16, s26, $0xb8;
	[tilespmem:$0x1C980] =	vst v63  }
0x246: {  	_ = 	snop  }
0x247: {  	[tilespmem:s2], [sflag:$0x4] =	stream.indirect.gather [hbm4b:s1+s26], $0x200, s16, s26, $0xb8;
	[tilespmem:$0x1C980] =	vst v63  }
.Ltmp7:
0x248: {  	_ = 	snop;
	(pc) =	sbr.rel .LBB2_2-.Ltmp7, $4  }
0x249: {  	[tilespmem:s6], [sflag:$0x4] =	stream.linear.gather [hbm4b:s22+s7], $0x2000, $0x38;
	[tilespmem:$0x1C980] =	vst v63  }
0x24a: {  	_ = 	snop  }
0x24b: {  	[hbm4b:s4+s7] =	stream.linear.scatter [tilespmem:s12], [sflag:$0x6], $0x2000, $0x38;
	[tilespmem:$0x1C980] =	vst v63  }
0x24c: {  	p0 =	por $0x0, $0x0;
	s4 =	simm.s32 $0x1000  }
.LBB2_13:
0x24d: {  	_ =	sfence.sel $0x180000  }
0x24e: {  	[bflag:$0x0] =	sbarrier.arrive $0xFFFF  }
0x24f: {  	_ =	strace $0x90000047  }
0x250: {  	s0 =	stileid.u32;
	[bflag:$0x2] =	sbarrier.arrive $0xFFFF  }
0x251: {  	p0 =	sne.s32 s0, $0x0;
	s0 =	rddreg [dreg:$0xa]  }
0x252: {  	s0 =	sadd.s32 @!p0 $0x100000, s0  }
0x253: {  	[sflag:s0] =	ssyncadd.tile.s32 @!p0 $0x1;
	_ =	shalt  }
.Lfunc_end2:
_tile_overlayer_lowered:
.L_overlay_start_2:
0x254: {  	(tag) =	ssettag $0x2  }
0x255: {  	s0 =	rddreg [dreg:$0x0];
	s2 =	stileid.u32  }
0x256: {  	s1 =	rddreg [dreg:$0x1];
	p0 =	sne.s32 s2, $0x0  }
0x257: {  	s3 =	rddreg [dreg:$0x2];
	[bflag:$0x3] =	sbarrier.arrive $0xFFFF;
	s2 =	simm.s32 @!p0 $0x1C07  }
0x258: {  	[timem:s3], [sflag:s2] =	dma.local @!p0 [hbm:s0], s1  }
0x259: {  	s0 =	simm.s32 @!p0 $0x7  }
0x25a: {  	_ =	swait.ge @!p0 [sflag:s0], s1  }
0x25b: {  	s1 =	ssub.s32 @!p0 $0x0, s1;
	[sflag:s0] =	ssyncset.done @!p0 $0x0  }
0x25c: {  	[sflag:s0] =	ssyncadd.s32 @!p0 s1  }
0x25d: {  	[bflag:$0x3] =	sbarrier.arrive $0xFFFF  }
0x25e: {  	_ =	shalt  }

</sc_bundles>
